<compile_context>
chip_gen: v7x
topology: tpu7x:2x2x1
jax: 0.10.2.dev20260603
libtpu: 0.0.44.dev20260713+nightly
codegen_flags: <defaults>
</compile_context>

<pallas_src>
import functools

import jax
import jax.numpy as jnp
from jax import lax
from jax.experimental import pallas as pl
from jax.experimental.pallas import tpu as pltpu
from jax.experimental.pallas import tpu_sc as plsc

BATCH = 16384
FIELDS = 26
VOCAB = 1000001

NUM_CORES = 2
NUM_SUBCORES = 16
NUM_WORKERS = NUM_CORES * NUM_SUBCORES
COLS_PER_W = BATCH // NUM_WORKERS
B_PER_W = COLS_PER_W * FIELDS

LANES = 16
NCHUNK = 4
CHUNK_COLS = COLS_PER_W // NCHUNK
CHUNK_FLAT = CHUNK_COLS * FIELDS
VECS_PER_ROW = CHUNK_COLS // LANES

STAGE_CHUNK = 62592
STAGE_TAIL = 61056
STAGE_REM_OFF = 15 * STAGE_CHUNK + STAGE_TAIL
STAGE_REM = VOCAB - STAGE_REM_OFF

_mesh = plsc.VectorSubcoreMesh(core_axis_name="c", subcore_axis_name="s")


@functools.partial(
    pl.kernel,
    mesh=_mesh,
    out_type=jax.ShapeDtypeStruct((FIELDS, BATCH), jnp.float32),
    scratch_types=[
        pltpu.VMEM_SHARED((VOCAB,), jnp.float32),
        pltpu.VMEM((FIELDS, COLS_PER_W), jnp.int32),
        pltpu.VMEM((B_PER_W,), jnp.int32),
        pltpu.VMEM((B_PER_W,), jnp.float32),
        pltpu.VMEM((FIELDS, COLS_PER_W), jnp.float32),
        pltpu.VMEM((128,), jnp.float32),
        pltpu.SemaphoreType.DMA,
        pltpu.SemaphoreType.DMA,
        pltpu.SemaphoreType.DMA,
        pltpu.SemaphoreType.DMA,
    ],
    compiler_params=pltpu.CompilerParams(
        use_tc_tiling_on_sc=True, needs_layout_passes=False
    ),
)
def _gather_kernel(
    w_hbm, xt_hbm, out_hbm,
    table_s, xin_v, idx_v, vals_v, xout_v, tail_v,
    sem_in, sem_g, sem_out, sem_t,
):
    cid = lax.axis_index("c")
    sid = lax.axis_index("s")
    wid = sid * NUM_CORES + cid
    col0 = wid * COLS_PER_W

    in_copies = [
        pltpu.async_copy(
            xt_hbm.at[:, pl.ds(col0 + q * CHUNK_COLS, CHUNK_COLS)],
            xin_v.at[:, pl.ds(q * CHUNK_COLS, CHUNK_COLS)],
            sem_in,
        )
        for q in range(NCHUNK)
    ]

    @pl.when(sid < NUM_SUBCORES - 1)
    def _():
        off = pl.multiple_of(sid * STAGE_CHUNK, 128)
        pltpu.async_copy(
            w_hbm.at[pl.ds(off, STAGE_CHUNK)], table_s.at[pl.ds(off, STAGE_CHUNK)],
            sem_t,
        )

    @pl.when(sid == NUM_SUBCORES - 1)
    def _():
        off = (NUM_SUBCORES - 1) * STAGE_CHUNK
        pltpu.async_copy(
            w_hbm.at[pl.ds(off, STAGE_TAIL)], table_s.at[pl.ds(off, STAGE_TAIL)],
            sem_t,
        )
        pltpu.sync_copy(w_hbm.at[pl.ds(STAGE_REM_OFF, STAGE_REM)], tail_v.at[pl.ds(0, STAGE_REM)])
        pltpu.sync_copy(tail_v.at[pl.ds(0, STAGE_REM)], table_s.at[pl.ds(STAGE_REM_OFF, STAGE_REM)])

    for q in range(NCHUNK):
        in_copies[q].wait()
        cbase = q * CHUNK_COLS
        fbase = q * CHUNK_FLAT

        def compact_row(f, carry, cbase=cbase, fbase=fbase):
            base = fbase + f * CHUNK_COLS
            for v in range(VECS_PER_ROW):
                idx_v[pl.ds(base + v * LANES, LANES)] = xin_v[
                    f, pl.ds(cbase + v * LANES, LANES)
                ]
            return carry

        lax.fori_loop(0, FIELDS, compact_row, 0)

    @pl.when(sid < NUM_SUBCORES - 1)
    def _():
        pltpu.make_async_copy(
            w_hbm.at[pl.ds(0, STAGE_CHUNK)], table_s.at[pl.ds(0, STAGE_CHUNK)], sem_t
        ).wait()

    @pl.when(sid == NUM_SUBCORES - 1)
    def _():
        pltpu.make_async_copy(
            w_hbm.at[pl.ds(0, STAGE_TAIL)], table_s.at[pl.ds(0, STAGE_TAIL)], sem_t
        ).wait()

    plsc.subcore_barrier()

    gathers = []
    for q in range(NCHUNK):
        fbase = q * CHUNK_FLAT
        gathers.append(
            pltpu.async_copy(
                table_s.at[idx_v.at[pl.ds(fbase, CHUNK_FLAT)]],
                vals_v.at[pl.ds(fbase, CHUNK_FLAT)],
                sem_g,
            )
        )

    out_copies = []
    for q in range(NCHUNK):
        gathers[q].wait()
        cbase = q * CHUNK_COLS
        fbase = q * CHUNK_FLAT

        def expand_row(f, carry, cbase=cbase, fbase=fbase):
            base = fbase + f * CHUNK_COLS
            for v in range(VECS_PER_ROW):
                xout_v[f, pl.ds(cbase + v * LANES, LANES)] = vals_v[
                    pl.ds(base + v * LANES, LANES)
                ]
            return carry

        lax.fori_loop(0, FIELDS, expand_row, 0)
        out_copies.append(
            pltpu.async_copy(
                xout_v.at[:, pl.ds(cbase, CHUNK_COLS)],
                out_hbm.at[:, pl.ds(col0 + cbase, CHUNK_COLS)],
                sem_out,
            )
        )

    for c in out_copies:
        c.wait()


def kernel(x, weights):
    out_t = _gather_kernel(weights, x.astype(jnp.int32).T)
    return out_t.T

# --- scband reference (transcript-rebuilt; emitter-appended) ---
"""Pipeline reference for scband-wide-embedding-11690900979889 (READ-ONLY COPY).

The authoritative reference and input builder live on the scoring server;
editing this copy changes nothing except your own understanding.
"""

import jax, jax.numpy as jnp
import numpy as np

FEATURE_NUM = 1000000
BATCH = 16384
FIELDS = 26

def setup_inputs(seed: int = 0) -> dict:
    key = jax.random.key(seed)
    k1, k2 = jax.random.split(key)
    x = jax.random.randint(k1, (BATCH, FIELDS), 0, FEATURE_NUM + 1, dtype=jnp.int64 if jax.config.jax_enable_x64 else jnp.int32)
    # weights = concat([0], randn(feature_num)) -> shape [feature_num + 1]
    w_rand = jax.random.normal(k2, (FEATURE_NUM,), dtype=jnp.float32)
    weights = jnp.concatenate([jnp.zeros((1,), dtype=jnp.float32), w_rand], axis=0)
    return {"x": x, "weights": weights}

def reference(x, weights):
    size = x.shape
    flat = x.reshape(-1)
    out = jnp.take(weights, flat, axis=0)
    return out.reshape(size)

if __name__ == "__main__":
    import jax
    _d = setup_inputs()
    print(jax.jit(kernel)(*tuple(_d.values())))

</pallas_src>

<mosaic_0001>
#map = affine_map<(d0, d1) -> (0)>
#map1 = affine_map<(d0, d1) -> (0, 0)>
module attributes {stable_mosaic.version = 14 : i64} {
  func.func @_gather_kernel(%arg0: i32, %arg1: i32, %arg2: memref<1000001xf32, #tpu.memory_space<hbm>>, %arg3: memref<26x16384xi32, #tpu.memory_space<hbm>>, %arg4: memref<26x16384xf32, #tpu.memory_space<hbm>>, %arg5: memref<1000001xf32, #tpu.memory_space<vmem_shared>>, %arg6: memref<26x512xi32, #tpu.memory_space<vmem>>, %arg7: memref<13312xi32, #tpu.memory_space<vmem>>, %arg8: memref<13312xf32, #tpu.memory_space<vmem>>, %arg9: memref<26x512xf32, #tpu.memory_space<vmem>>, %arg10: memref<128xf32, #tpu.memory_space<vmem>>, %arg11: memref<!tpu.dma_semaphore, #tpu.memory_space<semaphore_mem>>, %arg12: memref<!tpu.dma_semaphore, #tpu.memory_space<semaphore_mem>>, %arg13: memref<!tpu.dma_semaphore, #tpu.memory_space<semaphore_mem>>, %arg14: memref<!tpu.dma_semaphore, #tpu.memory_space<semaphore_mem>>) attributes {dimension_semantics = [#tpu.dimension_semantics<core_parallel>, #tpu.dimension_semantics<subcore_parallel>], iteration_bounds = array<i64: 2, 16>, scalar_prefetch = 0 : i64, scratch_operands = 10 : i64, tpu.core_type = #tpu.core_type<sc_vector_subcore>, window_params = [{transform_indices = #map}, {transform_indices = #map1}, {transform_indices = #map1}]} {
    %mul3A = arith.constant 2 : i32
    %mul3A_0 = arith.muli %arg1, %mul3A : i32
    %add3A = arith.addi %mul3A_0, %arg0 : i32
    %mul3A_1 = arith.constant 512 : i32
    %mul3A_2 = arith.muli %add3A, %mul3A_1 : i32
    %add3A_3 = arith.constant 0 : i32
    %add3A_4 = arith.addi %mul3A_2, %add3A_3 : i32
    %dma_start3A = arith.constant 0 : i32
    %dma_start3A_5 = arith.constant 0 : i32
    %dma_start3A_6 = tpu.memref_slice %arg6[%dma_start3A, %dma_start3A_5] : memref<26x512xi32, #tpu.memory_space<vmem>> -> memref<26x128xi32, #tpu.memory_space<vmem>>
    %dma_start3A_7 = arith.constant 0 : i32
    %dma_start3A_8 = tpu.memref_slice %arg3[%dma_start3A_7, %add3A_4] : memref<26x16384xi32, #tpu.memory_space<hbm>> -> memref<26x128xi32, #tpu.memory_space<hbm>>
    %dma_start3A_9 = arith.constant 0 : i32
    %dma_start3A_10 = arith.constant 0 : i32
    %dma_start3A_11 = tpu.memref_slice %arg6[%dma_start3A_9, %dma_start3A_10] : memref<26x512xi32, #tpu.memory_space<vmem>> -> memref<26x128xi32, #tpu.memory_space<vmem>>
    %dma_start3A_12 = arith.constant 0 : i32
    %dma_start3A_13 = tpu.memref_slice %arg3[%dma_start3A_12, %add3A_4] : memref<26x16384xi32, #tpu.memory_space<hbm>> -> memref<26x128xi32, #tpu.memory_space<hbm>>
    tpu.enqueue_dma source(%dma_start3A_13 : memref<26x128xi32, #tpu.memory_space<hbm>>) target(%dma_start3A_11 : memref<26x128xi32, #tpu.memory_space<vmem>>) target_semaphore(%arg11 : memref<!tpu.dma_semaphore, #tpu.memory_space<semaphore_mem>>)
    %add3A_14 = arith.constant 128 : i32
    %add3A_15 = arith.addi %mul3A_2, %add3A_14 : i32
    %dma_start3A_16 = arith.constant 0 : i32
    %dma_start3A_17 = arith.constant 128 : i32
    %dma_start3A_18 = tpu.memref_slice %arg6[%dma_start3A_16, %dma_start3A_17] : memref<26x512xi32, #tpu.memory_space<vmem>> -> memref<26x128xi32, #tpu.memory_space<vmem>>
    %dma_start3A_19 = arith.constant 0 : i32
    %dma_start3A_20 = tpu.memref_slice %arg3[%dma_start3A_19, %add3A_15] : memref<26x16384xi32, #tpu.memory_space<hbm>> -> memref<26x128xi32, #tpu.memory_space<hbm>>
    %dma_start3A_21 = arith.constant 0 : i32
    %dma_start3A_22 = arith.constant 128 : i32
    %dma_start3A_23 = tpu.memref_slice %arg6[%dma_start3A_21, %dma_start3A_22] : memref<26x512xi32, #tpu.memory_space<vmem>> -> memref<26x128xi32, #tpu.memory_space<vmem>>
    %dma_start3A_24 = arith.constant 0 : i32
    %dma_start3A_25 = tpu.memref_slice %arg3[%dma_start3A_24, %add3A_15] : memref<26x16384xi32, #tpu.memory_space<hbm>> -> memref<26x128xi32, #tpu.memory_space<hbm>>
    tpu.enqueue_dma source(%dma_start3A_25 : memref<26x128xi32, #tpu.memory_space<hbm>>) target(%dma_start3A_23 : memref<26x128xi32, #tpu.memory_space<vmem>>) target_semaphore(%arg11 : memref<!tpu.dma_semaphore, #tpu.memory_space<semaphore_mem>>)
    %add3A_26 = arith.constant 256 : i32
    %add3A_27 = arith.addi %mul3A_2, %add3A_26 : i32
    %dma_start3A_28 = arith.constant 0 : i32
    %dma_start3A_29 = arith.constant 256 : i32
    %dma_start3A_30 = tpu.memref_slice %arg6[%dma_start3A_28, %dma_start3A_29] : memref<26x512xi32, #tpu.memory_space<vmem>> -> memref<26x128xi32, #tpu.memory_space<vmem>>
    %dma_start3A_31 = arith.constant 0 : i32
    %dma_start3A_32 = tpu.memref_slice %arg3[%dma_start3A_31, %add3A_27] : memref<26x16384xi32, #tpu.memory_space<hbm>> -> memref<26x128xi32, #tpu.memory_space<hbm>>
    %dma_start3A_33 = arith.constant 0 : i32
    %dma_start3A_34 = arith.constant 256 : i32
    %dma_start3A_35 = tpu.memref_slice %arg6[%dma_start3A_33, %dma_start3A_34] : memref<26x512xi32, #tpu.memory_space<vmem>> -> memref<26x128xi32, #tpu.memory_space<vmem>>
    %dma_start3A_36 = arith.constant 0 : i32
    %dma_start3A_37 = tpu.memref_slice %arg3[%dma_start3A_36, %add3A_27] : memref<26x16384xi32, #tpu.memory_space<hbm>> -> memref<26x128xi32, #tpu.memory_space<hbm>>
    tpu.enqueue_dma source(%dma_start3A_37 : memref<26x128xi32, #tpu.memory_space<hbm>>) target(%dma_start3A_35 : memref<26x128xi32, #tpu.memory_space<vmem>>) target_semaphore(%arg11 : memref<!tpu.dma_semaphore, #tpu.memory_space<semaphore_mem>>)
    %add3A_38 = arith.constant 384 : i32
    %add3A_39 = arith.addi %mul3A_2, %add3A_38 : i32
    %dma_start3A_40 = arith.constant 0 : i32
    %dma_start3A_41 = arith.constant 384 : i32
    %dma_start3A_42 = tpu.memref_slice %arg6[%dma_start3A_40, %dma_start3A_41] : memref<26x512xi32, #tpu.memory_space<vmem>> -> memref<26x128xi32, #tpu.memory_space<vmem>>
    %dma_start3A_43 = arith.constant 0 : i32
    %dma_start3A_44 = tpu.memref_slice %arg3[%dma_start3A_43, %add3A_39] : memref<26x16384xi32, #tpu.memory_space<hbm>> -> memref<26x128xi32, #tpu.memory_space<hbm>>
    %dma_start3A_45 = arith.constant 0 : i32
    %dma_start3A_46 = arith.constant 384 : i32
    %dma_start3A_47 = tpu.memref_slice %arg6[%dma_start3A_45, %dma_start3A_46] : memref<26x512xi32, #tpu.memory_space<vmem>> -> memref<26x128xi32, #tpu.memory_space<vmem>>
    %dma_start3A_48 = arith.constant 0 : i32
    %dma_start3A_49 = tpu.memref_slice %arg3[%dma_start3A_48, %add3A_39] : memref<26x16384xi32, #tpu.memory_space<hbm>> -> memref<26x128xi32, #tpu.memory_space<hbm>>
    tpu.enqueue_dma source(%dma_start3A_49 : memref<26x128xi32, #tpu.memory_space<hbm>>) target(%dma_start3A_47 : memref<26x128xi32, #tpu.memory_space<vmem>>) target_semaphore(%arg11 : memref<!tpu.dma_semaphore, #tpu.memory_space<semaphore_mem>>)
    %lt3A = arith.constant 15 : i32
    %lt3A_50 = arith.cmpi slt, %arg1, %lt3A : i32
    %convert_element_type3A = arith.extui %lt3A_50 : i1 to i32
    %cond3A = arith.constant 0 : i32
    %cond3A_51 = arith.cmpi ne, %convert_element_type3A, %cond3A : i32
    scf.if %cond3A_51 {
      %mul3A_288 = arith.constant 62592 : i32
      %mul3A_289 = arith.muli %arg1, %mul3A_288 : i32
      %multiple_of3A = tpu.assume_multiple %mul3A_289, 128 : i32
      %dma_start3A_290 = tpu.memref_slice %arg5[%multiple_of3A] : memref<1000001xf32, #tpu.memory_space<vmem_shared>> -> memref<62592xf32, #tpu.memory_space<vmem_shared>>
      %dma_start3A_291 = tpu.memref_slice %arg2[%multiple_of3A] : memref<1000001xf32, #tpu.memory_space<hbm>> -> memref<62592xf32, #tpu.memory_space<hbm>>
      tpu.enqueue_dma source(%dma_start3A_291 : memref<62592xf32, #tpu.memory_space<hbm>>) target(%dma_start3A_290 : memref<62592xf32, #tpu.memory_space<vmem_shared>>) target_semaphore(%arg14 : memref<!tpu.dma_semaphore, #tpu.memory_space<semaphore_mem>>)
    } else {
    }
    %eq3A = arith.constant 15 : i32
    %eq3A_52 = arith.cmpi eq, %arg1, %eq3A : i32
    %convert_element_type3A_53 = arith.extui %eq3A_52 : i1 to i32
    %cond3A_54 = arith.constant 0 : i32
    %cond3A_55 = arith.cmpi ne, %convert_element_type3A_53, %cond3A_54 : i32
    scf.if %cond3A_55 {
      %dma_start3A_288 = arith.constant 938880 : i32
      %dma_start3A_289 = tpu.memref_slice %arg5[%dma_start3A_288] : memref<1000001xf32, #tpu.memory_space<vmem_shared>> -> memref<61056xf32, #tpu.memory_space<vmem_shared>>
      %dma_start3A_290 = arith.constant 938880 : i32
      %dma_start3A_291 = tpu.memref_slice %arg2[%dma_start3A_290] : memref<1000001xf32, #tpu.memory_space<hbm>> -> memref<61056xf32, #tpu.memory_space<hbm>>
      tpu.enqueue_dma source(%dma_start3A_291 : memref<61056xf32, #tpu.memory_space<hbm>>) target(%dma_start3A_289 : memref<61056xf32, #tpu.memory_space<vmem_shared>>) target_semaphore(%arg14 : memref<!tpu.dma_semaphore, #tpu.memory_space<semaphore_mem>>)
      "tpu.region"() ({
        %run_scoped3A = tpu.sem_alloc : memref<!tpu.dma_semaphore, #tpu.memory_space<semaphore_mem>>
        %dma_start3A_292 = arith.constant 0 : i32
        %dma_start3A_293 = tpu.memref_slice %arg10[%dma_start3A_292] : memref<128xf32, #tpu.memory_space<vmem>> -> memref<65xf32, #tpu.memory_space<vmem>>
        %dma_start3A_294 = arith.constant 999936 : i32
        %dma_start3A_295 = tpu.memref_slice %arg2[%dma_start3A_294] : memref<1000001xf32, #tpu.memory_space<hbm>> -> memref<65xf32, #tpu.memory_space<hbm>>
        %dma_start3A_296 = arith.constant 0 : i32
        %dma_start3A_297 = tpu.memref_slice %arg10[%dma_start3A_296] : memref<128xf32, #tpu.memory_space<vmem>> -> memref<65xf32, #tpu.memory_space<vmem>>
        %dma_start3A_298 = arith.constant 999936 : i32
        %dma_start3A_299 = tpu.memref_slice %arg2[%dma_start3A_298] : memref<1000001xf32, #tpu.memory_space<hbm>> -> memref<65xf32, #tpu.memory_space<hbm>>
        tpu.enqueue_dma source(%dma_start3A_299 : memref<65xf32, #tpu.memory_space<hbm>>) target(%dma_start3A_297 : memref<65xf32, #tpu.memory_space<vmem>>) target_semaphore(%run_scoped3A : memref<!tpu.dma_semaphore, #tpu.memory_space<semaphore_mem>>)
        %dma_wait3A_300 = arith.constant 0 : i32
        %dma_wait3A_301 = tpu.memref_slice %arg10[%dma_wait3A_300] : memref<128xf32, #tpu.memory_space<vmem>> -> memref<65xf32, #tpu.memory_space<vmem>>
        %dma_wait3A_302 = arith.constant 999936 : i32
        %dma_wait3A_303 = tpu.memref_slice %arg2[%dma_wait3A_302] : memref<1000001xf32, #tpu.memory_space<hbm>> -> memref<65xf32, #tpu.memory_space<hbm>>
        %dma_wait3A_304 = arith.constant 0 : i32
        %dma_wait3A_305 = tpu.memref_slice %arg10[%dma_wait3A_304] : memref<128xf32, #tpu.memory_space<vmem>> -> memref<65xf32, #tpu.memory_space<vmem>>
        %dma_wait3A_306 = arith.constant 999936 : i32
        %dma_wait3A_307 = tpu.memref_slice %arg2[%dma_wait3A_306] : memref<1000001xf32, #tpu.memory_space<hbm>> -> memref<65xf32, #tpu.memory_space<hbm>>
        tpu.wait_dma2 semaphore(%run_scoped3A : memref<!tpu.dma_semaphore, #tpu.memory_space<semaphore_mem>>) src(%dma_wait3A_307 : memref<65xf32, #tpu.memory_space<hbm>>) dst(%dma_wait3A_305 : memref<65xf32, #tpu.memory_space<vmem>>)
        tpu.yield
      }) : () -> ()
      "tpu.region"() ({
        %run_scoped3A = tpu.sem_alloc : memref<!tpu.dma_semaphore, #tpu.memory_space<semaphore_mem>>
        %dma_start3A_292 = arith.constant 0 : i32
        %dma_start3A_293 = tpu.memref_slice %arg10[%dma_start3A_292] : memref<128xf32, #tpu.memory_space<vmem>> -> memref<65xf32, #tpu.memory_space<vmem>>
        %dma_start3A_294 = arith.constant 999936 : i32
        %dma_start3A_295 = tpu.memref_slice %arg5[%dma_start3A_294] : memref<1000001xf32, #tpu.memory_space<vmem_shared>> -> memref<65xf32, #tpu.memory_space<vmem_shared>>
        %dma_start3A_296 = arith.constant 999936 : i32
        %dma_start3A_297 = tpu.memref_slice %arg5[%dma_start3A_296] : memref<1000001xf32, #tpu.memory_space<vmem_shared>> -> memref<65xf32, #tpu.memory_space<vmem_shared>>
        %dma_start3A_298 = arith.constant 0 : i32
        %dma_start3A_299 = tpu.memref_slice %arg10[%dma_start3A_298] : memref<128xf32, #tpu.memory_space<vmem>> -> memref<65xf32, #tpu.memory_space<vmem>>
        tpu.enqueue_dma source(%dma_start3A_299 : memref<65xf32, #tpu.memory_space<vmem>>) target(%dma_start3A_297 : memref<65xf32, #tpu.memory_space<vmem_shared>>) target_semaphore(%run_scoped3A : memref<!tpu.dma_semaphore, #tpu.memory_space<semaphore_mem>>)
        %dma_wait3A_300 = arith.constant 0 : i32
        %dma_wait3A_301 = tpu.memref_slice %arg10[%dma_wait3A_300] : memref<128xf32, #tpu.memory_space<vmem>> -> memref<65xf32, #tpu.memory_space<vmem>>
        %dma_wait3A_302 = arith.constant 999936 : i32
        %dma_wait3A_303 = tpu.memref_slice %arg5[%dma_wait3A_302] : memref<1000001xf32, #tpu.memory_space<vmem_shared>> -> memref<65xf32, #tpu.memory_space<vmem_shared>>
        %dma_wait3A_304 = arith.constant 999936 : i32
        %dma_wait3A_305 = tpu.memref_slice %arg5[%dma_wait3A_304] : memref<1000001xf32, #tpu.memory_space<vmem_shared>> -> memref<65xf32, #tpu.memory_space<vmem_shared>>
        %dma_wait3A_306 = arith.constant 0 : i32
        %dma_wait3A_307 = tpu.memref_slice %arg10[%dma_wait3A_306] : memref<128xf32, #tpu.memory_space<vmem>> -> memref<65xf32, #tpu.memory_space<vmem>>
        tpu.wait_dma2 semaphore(%run_scoped3A : memref<!tpu.dma_semaphore, #tpu.memory_space<semaphore_mem>>) src(%dma_wait3A_307 : memref<65xf32, #tpu.memory_space<vmem>>) dst(%dma_wait3A_305 : memref<65xf32, #tpu.memory_space<vmem_shared>>)
        tpu.yield
      }) : () -> ()
    } else {
    }
    %dma_wait3A = arith.constant 0 : i32
    %dma_wait3A_56 = arith.constant 0 : i32
    %dma_wait3A_57 = tpu.memref_slice %arg6[%dma_wait3A, %dma_wait3A_56] : memref<26x512xi32, #tpu.memory_space<vmem>> -> memref<26x128xi32, #tpu.memory_space<vmem>>
    %dma_wait3A_58 = arith.constant 0 : i32
    %dma_wait3A_59 = tpu.memref_slice %arg3[%dma_wait3A_58, %add3A_4] : memref<26x16384xi32, #tpu.memory_space<hbm>> -> memref<26x128xi32, #tpu.memory_space<hbm>>
    %dma_wait3A_60 = arith.constant 0 : i32
    %dma_wait3A_61 = arith.constant 0 : i32
    %dma_wait3A_62 = tpu.memref_slice %arg6[%dma_wait3A_60, %dma_wait3A_61] : memref<26x512xi32, #tpu.memory_space<vmem>> -> memref<26x128xi32, #tpu.memory_space<vmem>>
    %dma_wait3A_63 = arith.constant 0 : i32
    %dma_wait3A_64 = tpu.memref_slice %arg3[%dma_wait3A_63, %add3A_4] : memref<26x16384xi32, #tpu.memory_space<hbm>> -> memref<26x128xi32, #tpu.memory_space<hbm>>
    tpu.wait_dma2 semaphore(%arg11 : memref<!tpu.dma_semaphore, #tpu.memory_space<semaphore_mem>>) src(%dma_wait3A_64 : memref<26x128xi32, #tpu.memory_space<hbm>>) dst(%dma_wait3A_62 : memref<26x128xi32, #tpu.memory_space<vmem>>)
    %scan3A = arith.constant 0 : i32
    %scan3A_65 = arith.constant 0 : i32
    %scan3A_66 = arith.constant 26 : i32
    %scan3A_67 = arith.addi %scan3A_65, %scan3A_66 : i32
    %scan3A_68 = arith.constant 1 : i32
    scf.for %scan3A_288 = %scan3A_65 to %scan3A_67 step %scan3A_68  : i32 {
      %mul3A_289 = arith.constant 128 : i32
      %mul3A_290 = arith.muli %scan3A_288, %mul3A_289 : i32
      %add3A_291 = arith.constant 0 : i32
      %add3A_292 = arith.addi %add3A_291, %mul3A_290 : i32
      %get3A = arith.index_cast %scan3A_288 : i32 to index
      %get3A_293 = arith.constant 0 : index
      %get3A_294 = tpu.vector_load %arg6[%get3A, %get3A_293] {strides = array<i32>} : memref<26x512xi32, #tpu.memory_space<vmem>>, vector<16xi32>,
      %add3A_295 = arith.constant 0 : i32
      %add3A_296 = arith.addi %add3A_292, %add3A_295 : i32
      %swap3A = arith.index_cast %add3A_296 : i32 to index
      %swap3A_297 = tpu.vector_load %arg7[%swap3A] {strides = array<i32>} : memref<13312xi32, #tpu.memory_space<vmem>>, vector<16xi32>,
      tpu.vector_store %arg7[%swap3A], %get3A_294 {strides = array<i32>} : memref<13312xi32, #tpu.memory_space<vmem>>, vector<16xi32>,
      %get3A_298 = arith.index_cast %scan3A_288 : i32 to index
      %get3A_299 = arith.constant 16 : index
      %get3A_300 = tpu.vector_load %arg6[%get3A_298, %get3A_299] {strides = array<i32>} : memref<26x512xi32, #tpu.memory_space<vmem>>, vector<16xi32>,
      %add3A_301 = arith.constant 16 : i32
      %add3A_302 = arith.addi %add3A_292, %add3A_301 : i32
      %swap3A_303 = arith.index_cast %add3A_302 : i32 to index
      %swap3A_304 = tpu.vector_load %arg7[%swap3A_303] {strides = array<i32>} : memref<13312xi32, #tpu.memory_space<vmem>>, vector<16xi32>,
      tpu.vector_store %arg7[%swap3A_303], %get3A_300 {strides = array<i32>} : memref<13312xi32, #tpu.memory_space<vmem>>, vector<16xi32>,
      %get3A_305 = arith.index_cast %scan3A_288 : i32 to index
      %get3A_306 = arith.constant 32 : index
      %get3A_307 = tpu.vector_load %arg6[%get3A_305, %get3A_306] {strides = array<i32>} : memref<26x512xi32, #tpu.memory_space<vmem>>, vector<16xi32>,
      %add3A_308 = arith.constant 32 : i32
      %add3A_309 = arith.addi %add3A_292, %add3A_308 : i32
      %swap3A_310 = arith.index_cast %add3A_309 : i32 to index
      %swap3A_311 = tpu.vector_load %arg7[%swap3A_310] {strides = array<i32>} : memref<13312xi32, #tpu.memory_space<vmem>>, vector<16xi32>,
      tpu.vector_store %arg7[%swap3A_310], %get3A_307 {strides = array<i32>} : memref<13312xi32, #tpu.memory_space<vmem>>, vector<16xi32>,
      %get3A_312 = arith.index_cast %scan3A_288 : i32 to index
      %get3A_313 = arith.constant 48 : index
      %get3A_314 = tpu.vector_load %arg6[%get3A_312, %get3A_313] {strides = array<i32>} : memref<26x512xi32, #tpu.memory_space<vmem>>, vector<16xi32>,
      %add3A_315 = arith.constant 48 : i32
      %add3A_316 = arith.addi %add3A_292, %add3A_315 : i32
      %swap3A_317 = arith.index_cast %add3A_316 : i32 to index
      %swap3A_318 = tpu.vector_load %arg7[%swap3A_317] {strides = array<i32>} : memref<13312xi32, #tpu.memory_space<vmem>>, vector<16xi32>,
      tpu.vector_store %arg7[%swap3A_317], %get3A_314 {strides = array<i32>} : memref<13312xi32, #tpu.memory_space<vmem>>, vector<16xi32>,
      %get3A_319 = arith.index_cast %scan3A_288 : i32 to index
      %get3A_320 = arith.constant 64 : index
      %get3A_321 = tpu.vector_load %arg6[%get3A_319, %get3A_320] {strides = array<i32>} : memref<26x512xi32, #tpu.memory_space<vmem>>, vector<16xi32>,
      %add3A_322 = arith.constant 64 : i32
      %add3A_323 = arith.addi %add3A_292, %add3A_322 : i32
      %swap3A_324 = arith.index_cast %add3A_323 : i32 to index
      %swap3A_325 = tpu.vector_load %arg7[%swap3A_324] {strides = array<i32>} : memref<13312xi32, #tpu.memory_space<vmem>>, vector<16xi32>,
      tpu.vector_store %arg7[%swap3A_324], %get3A_321 {strides = array<i32>} : memref<13312xi32, #tpu.memory_space<vmem>>, vector<16xi32>,
      %get3A_326 = arith.index_cast %scan3A_288 : i32 to index
      %get3A_327 = arith.constant 80 : index
      %get3A_328 = tpu.vector_load %arg6[%get3A_326, %get3A_327] {strides = array<i32>} : memref<26x512xi32, #tpu.memory_space<vmem>>, vector<16xi32>,
      %add3A_329 = arith.constant 80 : i32
      %add3A_330 = arith.addi %add3A_292, %add3A_329 : i32
      %swap3A_331 = arith.index_cast %add3A_330 : i32 to index
      %swap3A_332 = tpu.vector_load %arg7[%swap3A_331] {strides = array<i32>} : memref<13312xi32, #tpu.memory_space<vmem>>, vector<16xi32>,
      tpu.vector_store %arg7[%swap3A_331], %get3A_328 {strides = array<i32>} : memref<13312xi32, #tpu.memory_space<vmem>>, vector<16xi32>,
      %get3A_333 = arith.index_cast %scan3A_288 : i32 to index
      %get3A_334 = arith.constant 96 : index
      %get3A_335 = tpu.vector_load %arg6[%get3A_333, %get3A_334] {strides = array<i32>} : memref<26x512xi32, #tpu.memory_space<vmem>>, vector<16xi32>,
      %add3A_336 = arith.constant 96 : i32
      %add3A_337 = arith.addi %add3A_292, %add3A_336 : i32
      %swap3A_338 = arith.index_cast %add3A_337 : i32 to index
      %swap3A_339 = tpu.vector_load %arg7[%swap3A_338] {strides = array<i32>} : memref<13312xi32, #tpu.memory_space<vmem>>, vector<16xi32>,
      tpu.vector_store %arg7[%swap3A_338], %get3A_335 {strides = array<i32>} : memref<13312xi32, #tpu.memory_space<vmem>>, vector<16xi32>,
      %get3A_340 = arith.index_cast %scan3A_288 : i32 to index
      %get3A_341 = arith.constant 112 : index
      %get3A_342 = tpu.vector_load %arg6[%get3A_340, %get3A_341] {strides = array<i32>} : memref<26x512xi32, #tpu.memory_space<vmem>>, vector<16xi32>,
      %add3A_343 = arith.constant 112 : i32
      %add3A_344 = arith.addi %add3A_292, %add3A_343 : i32
      %swap3A_345 = arith.index_cast %add3A_344 : i32 to index
      %swap3A_346 = tpu.vector_load %arg7[%swap3A_345] {strides = array<i32>} : memref<13312xi32, #tpu.memory_space<vmem>>, vector<16xi32>,
      tpu.vector_store %arg7[%swap3A_345], %get3A_342 {strides = array<i32>} : memref<13312xi32, #tpu.memory_space<vmem>>, vector<16xi32>,
    }
    %scan3A_69 = arith.constant 26 : i32
    %dma_wait3A_70 = arith.constant 0 : i32
    %dma_wait3A_71 = arith.constant 128 : i32
    %dma_wait3A_72 = tpu.memref_slice %arg6[%dma_wait3A_70, %dma_wait3A_71] : memref<26x512xi32, #tpu.memory_space<vmem>> -> memref<26x128xi32, #tpu.memory_space<vmem>>
    %dma_wait3A_73 = arith.constant 0 : i32
    %dma_wait3A_74 = tpu.memref_slice %arg3[%dma_wait3A_73, %add3A_15] : memref<26x16384xi32, #tpu.memory_space<hbm>> -> memref<26x128xi32, #tpu.memory_space<hbm>>
    %dma_wait3A_75 = arith.constant 0 : i32
    %dma_wait3A_76 = arith.constant 128 : i32
    %dma_wait3A_77 = tpu.memref_slice %arg6[%dma_wait3A_75, %dma_wait3A_76] : memref<26x512xi32, #tpu.memory_space<vmem>> -> memref<26x128xi32, #tpu.memory_space<vmem>>
    %dma_wait3A_78 = arith.constant 0 : i32
    %dma_wait3A_79 = tpu.memref_slice %arg3[%dma_wait3A_78, %add3A_15] : memref<26x16384xi32, #tpu.memory_space<hbm>> -> memref<26x128xi32, #tpu.memory_space<hbm>>
    tpu.wait_dma2 semaphore(%arg11 : memref<!tpu.dma_semaphore, #tpu.memory_space<semaphore_mem>>) src(%dma_wait3A_79 : memref<26x128xi32, #tpu.memory_space<hbm>>) dst(%dma_wait3A_77 : memref<26x128xi32, #tpu.memory_space<vmem>>)
    %scan3A_80 = arith.constant 0 : i32
    %scan3A_81 = arith.constant 0 : i32
    %scan3A_82 = arith.constant 26 : i32
    %scan3A_83 = arith.addi %scan3A_81, %scan3A_82 : i32
    %scan3A_84 = arith.constant 1 : i32
    scf.for %scan3A_288 = %scan3A_81 to %scan3A_83 step %scan3A_84  : i32 {
      %mul3A_289 = arith.constant 128 : i32
      %mul3A_290 = arith.muli %scan3A_288, %mul3A_289 : i32
      %add3A_291 = arith.constant 3328 : i32
      %add3A_292 = arith.addi %add3A_291, %mul3A_290 : i32
      %get3A = arith.index_cast %scan3A_288 : i32 to index
      %get3A_293 = arith.constant 128 : index
      %get3A_294 = tpu.vector_load %arg6[%get3A, %get3A_293] {strides = array<i32>} : memref<26x512xi32, #tpu.memory_space<vmem>>, vector<16xi32>,
      %add3A_295 = arith.constant 0 : i32
      %add3A_296 = arith.addi %add3A_292, %add3A_295 : i32
      %swap3A = arith.index_cast %add3A_296 : i32 to index
      %swap3A_297 = tpu.vector_load %arg7[%swap3A] {strides = array<i32>} : memref<13312xi32, #tpu.memory_space<vmem>>, vector<16xi32>,
      tpu.vector_store %arg7[%swap3A], %get3A_294 {strides = array<i32>} : memref<13312xi32, #tpu.memory_space<vmem>>, vector<16xi32>,
      %get3A_298 = arith.index_cast %scan3A_288 : i32 to index
      %get3A_299 = arith.constant 144 : index
      %get3A_300 = tpu.vector_load %arg6[%get3A_298, %get3A_299] {strides = array<i32>} : memref<26x512xi32, #tpu.memory_space<vmem>>, vector<16xi32>,
      %add3A_301 = arith.constant 16 : i32
      %add3A_302 = arith.addi %add3A_292, %add3A_301 : i32
      %swap3A_303 = arith.index_cast %add3A_302 : i32 to index
      %swap3A_304 = tpu.vector_load %arg7[%swap3A_303] {strides = array<i32>} : memref<13312xi32, #tpu.memory_space<vmem>>, vector<16xi32>,
      tpu.vector_store %arg7[%swap3A_303], %get3A_300 {strides = array<i32>} : memref<13312xi32, #tpu.memory_space<vmem>>, vector<16xi32>,
      %get3A_305 = arith.index_cast %scan3A_288 : i32 to index
      %get3A_306 = arith.constant 160 : index
      %get3A_307 = tpu.vector_load %arg6[%get3A_305, %get3A_306] {strides = array<i32>} : memref<26x512xi32, #tpu.memory_space<vmem>>, vector<16xi32>,
      %add3A_308 = arith.constant 32 : i32
      %add3A_309 = arith.addi %add3A_292, %add3A_308 : i32
      %swap3A_310 = arith.index_cast %add3A_309 : i32 to index
      %swap3A_311 = tpu.vector_load %arg7[%swap3A_310] {strides = array<i32>} : memref<13312xi32, #tpu.memory_space<vmem>>, vector<16xi32>,
      tpu.vector_store %arg7[%swap3A_310], %get3A_307 {strides = array<i32>} : memref<13312xi32, #tpu.memory_space<vmem>>, vector<16xi32>,
      %get3A_312 = arith.index_cast %scan3A_288 : i32 to index
      %get3A_313 = arith.constant 176 : index
      %get3A_314 = tpu.vector_load %arg6[%get3A_312, %get3A_313] {strides = array<i32>} : memref<26x512xi32, #tpu.memory_space<vmem>>, vector<16xi32>,
      %add3A_315 = arith.constant 48 : i32
      %add3A_316 = arith.addi %add3A_292, %add3A_315 : i32
      %swap3A_317 = arith.index_cast %add3A_316 : i32 to index
      %swap3A_318 = tpu.vector_load %arg7[%swap3A_317] {strides = array<i32>} : memref<13312xi32, #tpu.memory_space<vmem>>, vector<16xi32>,
      tpu.vector_store %arg7[%swap3A_317], %get3A_314 {strides = array<i32>} : memref<13312xi32, #tpu.memory_space<vmem>>, vector<16xi32>,
      %get3A_319 = arith.index_cast %scan3A_288 : i32 to index
      %get3A_320 = arith.constant 192 : index
      %get3A_321 = tpu.vector_load %arg6[%get3A_319, %get3A_320] {strides = array<i32>} : memref<26x512xi32, #tpu.memory_space<vmem>>, vector<16xi32>,
      %add3A_322 = arith.constant 64 : i32
      %add3A_323 = arith.addi %add3A_292, %add3A_322 : i32
      %swap3A_324 = arith.index_cast %add3A_323 : i32 to index
      %swap3A_325 = tpu.vector_load %arg7[%swap3A_324] {strides = array<i32>} : memref<13312xi32, #tpu.memory_space<vmem>>, vector<16xi32>,
      tpu.vector_store %arg7[%swap3A_324], %get3A_321 {strides = array<i32>} : memref<13312xi32, #tpu.memory_space<vmem>>, vector<16xi32>,
      %get3A_326 = arith.index_cast %scan3A_288 : i32 to index
      %get3A_327 = arith.constant 208 : index
      %get3A_328 = tpu.vector_load %arg6[%get3A_326, %get3A_327] {strides = array<i32>} : memref<26x512xi32, #tpu.memory_space<vmem>>, vector<16xi32>,
      %add3A_329 = arith.constant 80 : i32
      %add3A_330 = arith.addi %add3A_292, %add3A_329 : i32
      %swap3A_331 = arith.index_cast %add3A_330 : i32 to index
      %swap3A_332 = tpu.vector_load %arg7[%swap3A_331] {strides = array<i32>} : memref<13312xi32, #tpu.memory_space<vmem>>, vector<16xi32>,
      tpu.vector_store %arg7[%swap3A_331], %get3A_328 {strides = array<i32>} : memref<13312xi32, #tpu.memory_space<vmem>>, vector<16xi32>,
      %get3A_333 = arith.index_cast %scan3A_288 : i32 to index
      %get3A_334 = arith.constant 224 : index
      %get3A_335 = tpu.vector_load %arg6[%get3A_333, %get3A_334] {strides = array<i32>} : memref<26x512xi32, #tpu.memory_space<vmem>>, vector<16xi32>,
      %add3A_336 = arith.constant 96 : i32
      %add3A_337 = arith.addi %add3A_292, %add3A_336 : i32
      %swap3A_338 = arith.index_cast %add3A_337 : i32 to index
      %swap3A_339 = tpu.vector_load %arg7[%swap3A_338] {strides = array<i32>} : memref<13312xi32, #tpu.memory_space<vmem>>, vector<16xi32>,
      tpu.vector_store %arg7[%swap3A_338], %get3A_335 {strides = array<i32>} : memref<13312xi32, #tpu.memory_space<vmem>>, vector<16xi32>,
      %get3A_340 = arith.index_cast %scan3A_288 : i32 to index
      %get3A_341 = arith.constant 240 : index
      %get3A_342 = tpu.vector_load %arg6[%get3A_340, %get3A_341] {strides = array<i32>} : memref<26x512xi32, #tpu.memory_space<vmem>>, vector<16xi32>,
      %add3A_343 = arith.constant 112 : i32
      %add3A_344 = arith.addi %add3A_292, %add3A_343 : i32
      %swap3A_345 = arith.index_cast %add3A_344 : i32 to index
      %swap3A_346 = tpu.vector_load %arg7[%swap3A_345] {strides = array<i32>} : memref<13312xi32, #tpu.memory_space<vmem>>, vector<16xi32>,
      tpu.vector_store %arg7[%swap3A_345], %get3A_342 {strides = array<i32>} : memref<13312xi32, #tpu.memory_space<vmem>>, vector<16xi32>,
    }
    %scan3A_85 = arith.constant 26 : i32
    %dma_wait3A_86 = arith.constant 0 : i32
    %dma_wait3A_87 = arith.constant 256 : i32
    %dma_wait3A_88 = tpu.memref_slice %arg6[%dma_wait3A_86, %dma_wait3A_87] : memref<26x512xi32, #tpu.memory_space<vmem>> -> memref<26x128xi32, #tpu.memory_space<vmem>>
    %dma_wait3A_89 = arith.constant 0 : i32
    %dma_wait3A_90 = tpu.memref_slice %arg3[%dma_wait3A_89, %add3A_27] : memref<26x16384xi32, #tpu.memory_space<hbm>> -> memref<26x128xi32, #tpu.memory_space<hbm>>
    %dma_wait3A_91 = arith.constant 0 : i32
    %dma_wait3A_92 = arith.constant 256 : i32
    %dma_wait3A_93 = tpu.memref_slice %arg6[%dma_wait3A_91, %dma_wait3A_92] : memref<26x512xi32, #tpu.memory_space<vmem>> -> memref<26x128xi32, #tpu.memory_space<vmem>>
    %dma_wait3A_94 = arith.constant 0 : i32
    %dma_wait3A_95 = tpu.memref_slice %arg3[%dma_wait3A_94, %add3A_27] : memref<26x16384xi32, #tpu.memory_space<hbm>> -> memref<26x128xi32, #tpu.memory_space<hbm>>
    tpu.wait_dma2 semaphore(%arg11 : memref<!tpu.dma_semaphore, #tpu.memory_space<semaphore_mem>>) src(%dma_wait3A_95 : memref<26x128xi32, #tpu.memory_space<hbm>>) dst(%dma_wait3A_93 : memref<26x128xi32, #tpu.memory_space<vmem>>)
    %scan3A_96 = arith.constant 0 : i32
    %scan3A_97 = arith.constant 0 : i32
    %scan3A_98 = arith.constant 26 : i32
    %scan3A_99 = arith.addi %scan3A_97, %scan3A_98 : i32
    %scan3A_100 = arith.constant 1 : i32
    scf.for %scan3A_288 = %scan3A_97 to %scan3A_99 step %scan3A_100  : i32 {
      %mul3A_289 = arith.constant 128 : i32
      %mul3A_290 = arith.muli %scan3A_288, %mul3A_289 : i32
      %add3A_291 = arith.constant 6656 : i32
      %add3A_292 = arith.addi %add3A_291, %mul3A_290 : i32
      %get3A = arith.index_cast %scan3A_288 : i32 to index
      %get3A_293 = arith.constant 256 : index
      %get3A_294 = tpu.vector_load %arg6[%get3A, %get3A_293] {strides = array<i32>} : memref<26x512xi32, #tpu.memory_space<vmem>>, vector<16xi32>,
      %add3A_295 = arith.constant 0 : i32
      %add3A_296 = arith.addi %add3A_292, %add3A_295 : i32
      %swap3A = arith.index_cast %add3A_296 : i32 to index
      %swap3A_297 = tpu.vector_load %arg7[%swap3A] {strides = array<i32>} : memref<13312xi32, #tpu.memory_space<vmem>>, vector<16xi32>,
      tpu.vector_store %arg7[%swap3A], %get3A_294 {strides = array<i32>} : memref<13312xi32, #tpu.memory_space<vmem>>, vector<16xi32>,
      %get3A_298 = arith.index_cast %scan3A_288 : i32 to index
      %get3A_299 = arith.constant 272 : index
      %get3A_300 = tpu.vector_load %arg6[%get3A_298, %get3A_299] {strides = array<i32>} : memref<26x512xi32, #tpu.memory_space<vmem>>, vector<16xi32>,
      %add3A_301 = arith.constant 16 : i32
      %add3A_302 = arith.addi %add3A_292, %add3A_301 : i32
      %swap3A_303 = arith.index_cast %add3A_302 : i32 to index
      %swap3A_304 = tpu.vector_load %arg7[%swap3A_303] {strides = array<i32>} : memref<13312xi32, #tpu.memory_space<vmem>>, vector<16xi32>,
      tpu.vector_store %arg7[%swap3A_303], %get3A_300 {strides = array<i32>} : memref<13312xi32, #tpu.memory_space<vmem>>, vector<16xi32>,
      %get3A_305 = arith.index_cast %scan3A_288 : i32 to index
      %get3A_306 = arith.constant 288 : index
      %get3A_307 = tpu.vector_load %arg6[%get3A_305, %get3A_306] {strides = array<i32>} : memref<26x512xi32, #tpu.memory_space<vmem>>, vector<16xi32>,
      %add3A_308 = arith.constant 32 : i32
      %add3A_309 = arith.addi %add3A_292, %add3A_308 : i32
      %swap3A_310 = arith.index_cast %add3A_309 : i32 to index
      %swap3A_311 = tpu.vector_load %arg7[%swap3A_310] {strides = array<i32>} : memref<13312xi32, #tpu.memory_space<vmem>>, vector<16xi32>,
      tpu.vector_store %arg7[%swap3A_310], %get3A_307 {strides = array<i32>} : memref<13312xi32, #tpu.memory_space<vmem>>, vector<16xi32>,
      %get3A_312 = arith.index_cast %scan3A_288 : i32 to index
      %get3A_313 = arith.constant 304 : index
      %get3A_314 = tpu.vector_load %arg6[%get3A_312, %get3A_313] {strides = array<i32>} : memref<26x512xi32, #tpu.memory_space<vmem>>, vector<16xi32>,
      %add3A_315 = arith.constant 48 : i32
      %add3A_316 = arith.addi %add3A_292, %add3A_315 : i32
      %swap3A_317 = arith.index_cast %add3A_316 : i32 to index
      %swap3A_318 = tpu.vector_load %arg7[%swap3A_317] {strides = array<i32>} : memref<13312xi32, #tpu.memory_space<vmem>>, vector<16xi32>,
      tpu.vector_store %arg7[%swap3A_317], %get3A_314 {strides = array<i32>} : memref<13312xi32, #tpu.memory_space<vmem>>, vector<16xi32>,
      %get3A_319 = arith.index_cast %scan3A_288 : i32 to index
      %get3A_320 = arith.constant 320 : index
      %get3A_321 = tpu.vector_load %arg6[%get3A_319, %get3A_320] {strides = array<i32>} : memref<26x512xi32, #tpu.memory_space<vmem>>, vector<16xi32>,
      %add3A_322 = arith.constant 64 : i32
      %add3A_323 = arith.addi %add3A_292, %add3A_322 : i32
      %swap3A_324 = arith.index_cast %add3A_323 : i32 to index
      %swap3A_325 = tpu.vector_load %arg7[%swap3A_324] {strides = array<i32>} : memref<13312xi32, #tpu.memory_space<vmem>>, vector<16xi32>,
      tpu.vector_store %arg7[%swap3A_324], %get3A_321 {strides = array<i32>} : memref<13312xi32, #tpu.memory_space<vmem>>, vector<16xi32>,
      %get3A_326 = arith.index_cast %scan3A_288 : i32 to index
      %get3A_327 = arith.constant 336 : index
      %get3A_328 = tpu.vector_load %arg6[%get3A_326, %get3A_327] {strides = array<i32>} : memref<26x512xi32, #tpu.memory_space<vmem>>, vector<16xi32>,
      %add3A_329 = arith.constant 80 : i32
      %add3A_330 = arith.addi %add3A_292, %add3A_329 : i32
      %swap3A_331 = arith.index_cast %add3A_330 : i32 to index
      %swap3A_332 = tpu.vector_load %arg7[%swap3A_331] {strides = array<i32>} : memref<13312xi32, #tpu.memory_space<vmem>>, vector<16xi32>,
      tpu.vector_store %arg7[%swap3A_331], %get3A_328 {strides = array<i32>} : memref<13312xi32, #tpu.memory_space<vmem>>, vector<16xi32>,
      %get3A_333 = arith.index_cast %scan3A_288 : i32 to index
      %get3A_334 = arith.constant 352 : index
      %get3A_335 = tpu.vector_load %arg6[%get3A_333, %get3A_334] {strides = array<i32>} : memref<26x512xi32, #tpu.memory_space<vmem>>, vector<16xi32>,
      %add3A_336 = arith.constant 96 : i32
      %add3A_337 = arith.addi %add3A_292, %add3A_336 : i32
      %swap3A_338 = arith.index_cast %add3A_337 : i32 to index
      %swap3A_339 = tpu.vector_load %arg7[%swap3A_338] {strides = array<i32>} : memref<13312xi32, #tpu.memory_space<vmem>>, vector<16xi32>,
      tpu.vector_store %arg7[%swap3A_338], %get3A_335 {strides = array<i32>} : memref<13312xi32, #tpu.memory_space<vmem>>, vector<16xi32>,
      %get3A_340 = arith.index_cast %scan3A_288 : i32 to index
      %get3A_341 = arith.constant 368 : index
      %get3A_342 = tpu.vector_load %arg6[%get3A_340, %get3A_341] {strides = array<i32>} : memref<26x512xi32, #tpu.memory_space<vmem>>, vector<16xi32>,
      %add3A_343 = arith.constant 112 : i32
      %add3A_344 = arith.addi %add3A_292, %add3A_343 : i32
      %swap3A_345 = arith.index_cast %add3A_344 : i32 to index
      %swap3A_346 = tpu.vector_load %arg7[%swap3A_345] {strides = array<i32>} : memref<13312xi32, #tpu.memory_space<vmem>>, vector<16xi32>,
      tpu.vector_store %arg7[%swap3A_345], %get3A_342 {strides = array<i32>} : memref<13312xi32, #tpu.memory_space<vmem>>, vector<16xi32>,
    }
    %scan3A_101 = arith.constant 26 : i32
    %dma_wait3A_102 = arith.constant 0 : i32
    %dma_wait3A_103 = arith.constant 384 : i32
    %dma_wait3A_104 = tpu.memref_slice %arg6[%dma_wait3A_102, %dma_wait3A_103] : memref<26x512xi32, #tpu.memory_space<vmem>> -> memref<26x128xi32, #tpu.memory_space<vmem>>
    %dma_wait3A_105 = arith.constant 0 : i32
    %dma_wait3A_106 = tpu.memref_slice %arg3[%dma_wait3A_105, %add3A_39] : memref<26x16384xi32, #tpu.memory_space<hbm>> -> memref<26x128xi32, #tpu.memory_space<hbm>>
    %dma_wait3A_107 = arith.constant 0 : i32
    %dma_wait3A_108 = arith.constant 384 : i32
    %dma_wait3A_109 = tpu.memref_slice %arg6[%dma_wait3A_107, %dma_wait3A_108] : memref<26x512xi32, #tpu.memory_space<vmem>> -> memref<26x128xi32, #tpu.memory_space<vmem>>
    %dma_wait3A_110 = arith.constant 0 : i32
    %dma_wait3A_111 = tpu.memref_slice %arg3[%dma_wait3A_110, %add3A_39] : memref<26x16384xi32, #tpu.memory_space<hbm>> -> memref<26x128xi32, #tpu.memory_space<hbm>>
    tpu.wait_dma2 semaphore(%arg11 : memref<!tpu.dma_semaphore, #tpu.memory_space<semaphore_mem>>) src(%dma_wait3A_111 : memref<26x128xi32, #tpu.memory_space<hbm>>) dst(%dma_wait3A_109 : memref<26x128xi32, #tpu.memory_space<vmem>>)
    %scan3A_112 = arith.constant 0 : i32
    %scan3A_113 = arith.constant 0 : i32
    %scan3A_114 = arith.constant 26 : i32
    %scan3A_115 = arith.addi %scan3A_113, %scan3A_114 : i32
    %scan3A_116 = arith.constant 1 : i32
    scf.for %scan3A_288 = %scan3A_113 to %scan3A_115 step %scan3A_116  : i32 {
      %mul3A_289 = arith.constant 128 : i32
      %mul3A_290 = arith.muli %scan3A_288, %mul3A_289 : i32
      %add3A_291 = arith.constant 9984 : i32
      %add3A_292 = arith.addi %add3A_291, %mul3A_290 : i32
      %get3A = arith.index_cast %scan3A_288 : i32 to index
      %get3A_293 = arith.constant 384 : index
      %get3A_294 = tpu.vector_load %arg6[%get3A, %get3A_293] {strides = array<i32>} : memref<26x512xi32, #tpu.memory_space<vmem>>, vector<16xi32>,
      %add3A_295 = arith.constant 0 : i32
      %add3A_296 = arith.addi %add3A_292, %add3A_295 : i32
      %swap3A = arith.index_cast %add3A_296 : i32 to index
      %swap3A_297 = tpu.vector_load %arg7[%swap3A] {strides = array<i32>} : memref<13312xi32, #tpu.memory_space<vmem>>, vector<16xi32>,
      tpu.vector_store %arg7[%swap3A], %get3A_294 {strides = array<i32>} : memref<13312xi32, #tpu.memory_space<vmem>>, vector<16xi32>,
      %get3A_298 = arith.index_cast %scan3A_288 : i32 to index
      %get3A_299 = arith.constant 400 : index
      %get3A_300 = tpu.vector_load %arg6[%get3A_298, %get3A_299] {strides = array<i32>} : memref<26x512xi32, #tpu.memory_space<vmem>>, vector<16xi32>,
      %add3A_301 = arith.constant 16 : i32
      %add3A_302 = arith.addi %add3A_292, %add3A_301 : i32
      %swap3A_303 = arith.index_cast %add3A_302 : i32 to index
      %swap3A_304 = tpu.vector_load %arg7[%swap3A_303] {strides = array<i32>} : memref<13312xi32, #tpu.memory_space<vmem>>, vector<16xi32>,
      tpu.vector_store %arg7[%swap3A_303], %get3A_300 {strides = array<i32>} : memref<13312xi32, #tpu.memory_space<vmem>>, vector<16xi32>,
      %get3A_305 = arith.index_cast %scan3A_288 : i32 to index
      %get3A_306 = arith.constant 416 : index
      %get3A_307 = tpu.vector_load %arg6[%get3A_305, %get3A_306] {strides = array<i32>} : memref<26x512xi32, #tpu.memory_space<vmem>>, vector<16xi32>,
      %add3A_308 = arith.constant 32 : i32
      %add3A_309 = arith.addi %add3A_292, %add3A_308 : i32
      %swap3A_310 = arith.index_cast %add3A_309 : i32 to index
      %swap3A_311 = tpu.vector_load %arg7[%swap3A_310] {strides = array<i32>} : memref<13312xi32, #tpu.memory_space<vmem>>, vector<16xi32>,
      tpu.vector_store %arg7[%swap3A_310], %get3A_307 {strides = array<i32>} : memref<13312xi32, #tpu.memory_space<vmem>>, vector<16xi32>,
      %get3A_312 = arith.index_cast %scan3A_288 : i32 to index
      %get3A_313 = arith.constant 432 : index
      %get3A_314 = tpu.vector_load %arg6[%get3A_312, %get3A_313] {strides = array<i32>} : memref<26x512xi32, #tpu.memory_space<vmem>>, vector<16xi32>,
      %add3A_315 = arith.constant 48 : i32
      %add3A_316 = arith.addi %add3A_292, %add3A_315 : i32
      %swap3A_317 = arith.index_cast %add3A_316 : i32 to index
      %swap3A_318 = tpu.vector_load %arg7[%swap3A_317] {strides = array<i32>} : memref<13312xi32, #tpu.memory_space<vmem>>, vector<16xi32>,
      tpu.vector_store %arg7[%swap3A_317], %get3A_314 {strides = array<i32>} : memref<13312xi32, #tpu.memory_space<vmem>>, vector<16xi32>,
      %get3A_319 = arith.index_cast %scan3A_288 : i32 to index
      %get3A_320 = arith.constant 448 : index
      %get3A_321 = tpu.vector_load %arg6[%get3A_319, %get3A_320] {strides = array<i32>} : memref<26x512xi32, #tpu.memory_space<vmem>>, vector<16xi32>,
      %add3A_322 = arith.constant 64 : i32
      %add3A_323 = arith.addi %add3A_292, %add3A_322 : i32
      %swap3A_324 = arith.index_cast %add3A_323 : i32 to index
      %swap3A_325 = tpu.vector_load %arg7[%swap3A_324] {strides = array<i32>} : memref<13312xi32, #tpu.memory_space<vmem>>, vector<16xi32>,
      tpu.vector_store %arg7[%swap3A_324], %get3A_321 {strides = array<i32>} : memref<13312xi32, #tpu.memory_space<vmem>>, vector<16xi32>,
      %get3A_326 = arith.index_cast %scan3A_288 : i32 to index
      %get3A_327 = arith.constant 464 : index
      %get3A_328 = tpu.vector_load %arg6[%get3A_326, %get3A_327] {strides = array<i32>} : memref<26x512xi32, #tpu.memory_space<vmem>>, vector<16xi32>,
      %add3A_329 = arith.constant 80 : i32
      %add3A_330 = arith.addi %add3A_292, %add3A_329 : i32
      %swap3A_331 = arith.index_cast %add3A_330 : i32 to index
      %swap3A_332 = tpu.vector_load %arg7[%swap3A_331] {strides = array<i32>} : memref<13312xi32, #tpu.memory_space<vmem>>, vector<16xi32>,
      tpu.vector_store %arg7[%swap3A_331], %get3A_328 {strides = array<i32>} : memref<13312xi32, #tpu.memory_space<vmem>>, vector<16xi32>,
      %get3A_333 = arith.index_cast %scan3A_288 : i32 to index
      %get3A_334 = arith.constant 480 : index
      %get3A_335 = tpu.vector_load %arg6[%get3A_333, %get3A_334] {strides = array<i32>} : memref<26x512xi32, #tpu.memory_space<vmem>>, vector<16xi32>,
      %add3A_336 = arith.constant 96 : i32
      %add3A_337 = arith.addi %add3A_292, %add3A_336 : i32
      %swap3A_338 = arith.index_cast %add3A_337 : i32 to index
      %swap3A_339 = tpu.vector_load %arg7[%swap3A_338] {strides = array<i32>} : memref<13312xi32, #tpu.memory_space<vmem>>, vector<16xi32>,
      tpu.vector_store %arg7[%swap3A_338], %get3A_335 {strides = array<i32>} : memref<13312xi32, #tpu.memory_space<vmem>>, vector<16xi32>,
      %get3A_340 = arith.index_cast %scan3A_288 : i32 to index
      %get3A_341 = arith.constant 496 : index
      %get3A_342 = tpu.vector_load %arg6[%get3A_340, %get3A_341] {strides = array<i32>} : memref<26x512xi32, #tpu.memory_space<vmem>>, vector<16xi32>,
      %add3A_343 = arith.constant 112 : i32
      %add3A_344 = arith.addi %add3A_292, %add3A_343 : i32
      %swap3A_345 = arith.index_cast %add3A_344 : i32 to index
      %swap3A_346 = tpu.vector_load %arg7[%swap3A_345] {strides = array<i32>} : memref<13312xi32, #tpu.memory_space<vmem>>, vector<16xi32>,
      tpu.vector_store %arg7[%swap3A_345], %get3A_342 {strides = array<i32>} : memref<13312xi32, #tpu.memory_space<vmem>>, vector<16xi32>,
    }
    %scan3A_117 = arith.constant 26 : i32
    %lt3A_118 = arith.constant 15 : i32
    %lt3A_119 = arith.cmpi slt, %arg1, %lt3A_118 : i32
    %convert_element_type3A_120 = arith.extui %lt3A_119 : i1 to i32
    %cond3A_121 = arith.constant 0 : i32
    %cond3A_122 = arith.cmpi ne, %convert_element_type3A_120, %cond3A_121 : i32
    scf.if %cond3A_122 {
      %dma_wait3A_288 = arith.constant 0 : i32
      %dma_wait3A_289 = tpu.memref_slice %arg5[%dma_wait3A_288] : memref<1000001xf32, #tpu.memory_space<vmem_shared>> -> memref<62592xf32, #tpu.memory_space<vmem_shared>>
      %dma_wait3A_290 = arith.constant 0 : i32
      %dma_wait3A_291 = tpu.memref_slice %arg2[%dma_wait3A_290] : memref<1000001xf32, #tpu.memory_space<hbm>> -> memref<62592xf32, #tpu.memory_space<hbm>>
      tpu.wait_dma2 semaphore(%arg14 : memref<!tpu.dma_semaphore, #tpu.memory_space<semaphore_mem>>) src(%dma_wait3A_291 : memref<62592xf32, #tpu.memory_space<hbm>>) dst(%dma_wait3A_289 : memref<62592xf32, #tpu.memory_space<vmem_shared>>)
    } else {
    }
    %eq3A_123 = arith.constant 15 : i32
    %eq3A_124 = arith.cmpi eq, %arg1, %eq3A_123 : i32
    %convert_element_type3A_125 = arith.extui %eq3A_124 : i1 to i32
    %cond3A_126 = arith.constant 0 : i32
    %cond3A_127 = arith.cmpi ne, %convert_element_type3A_125, %cond3A_126 : i32
    scf.if %cond3A_127 {
      %dma_wait3A_288 = arith.constant 0 : i32
      %dma_wait3A_289 = tpu.memref_slice %arg5[%dma_wait3A_288] : memref<1000001xf32, #tpu.memory_space<vmem_shared>> -> memref<61056xf32, #tpu.memory_space<vmem_shared>>
      %dma_wait3A_290 = arith.constant 0 : i32
      %dma_wait3A_291 = tpu.memref_slice %arg2[%dma_wait3A_290] : memref<1000001xf32, #tpu.memory_space<hbm>> -> memref<61056xf32, #tpu.memory_space<hbm>>
      tpu.wait_dma2 semaphore(%arg14 : memref<!tpu.dma_semaphore, #tpu.memory_space<semaphore_mem>>) src(%dma_wait3A_291 : memref<61056xf32, #tpu.memory_space<hbm>>) dst(%dma_wait3A_289 : memref<61056xf32, #tpu.memory_space<vmem_shared>>)
    } else {
    }
    %barrier3A = arith.constant 0 : index
    tpu.barrier barrier_id(%barrier3A)
    %dma_start3A_128 = arith.constant 0 : i32
    %dma_start3A_129 = tpu.memref_slice %arg8[%dma_start3A_128] : memref<13312xf32, #tpu.memory_space<vmem>> -> memref<3328xf32, #tpu.memory_space<vmem>>
    %dma_start3A_130 = arith.constant 0 : i32
    %dma_start3A_131 = tpu.memref_slice %arg7[%dma_start3A_130] : memref<13312xi32, #tpu.memory_space<vmem>> -> memref<3328xi32, #tpu.memory_space<vmem>>
    %dma_start3A_132 = arith.constant 0 : i32
    %dma_start3A_133 = tpu.memref_slice %arg5[%dma_start3A_132] : memref<1000001xf32, #tpu.memory_space<vmem_shared>> -> memref<1000001xf32, #tpu.memory_space<vmem_shared>>
    tpu.enqueue_indirect_dma source(%dma_start3A_133 : memref<1000001xf32, #tpu.memory_space<vmem_shared>>) target(%dma_start3A_129 : memref<3328xf32, #tpu.memory_space<vmem>>) offsets(%dma_start3A_131 : memref<3328xi32, #tpu.memory_space<vmem>>) semaphore(%arg12 : memref<!tpu.dma_semaphore, #tpu.memory_space<semaphore_mem>>)
    %dma_start3A_134 = arith.constant 3328 : i32
    %dma_start3A_135 = tpu.memref_slice %arg8[%dma_start3A_134] : memref<13312xf32, #tpu.memory_space<vmem>> -> memref<3328xf32, #tpu.memory_space<vmem>>
    %dma_start3A_136 = arith.constant 3328 : i32
    %dma_start3A_137 = tpu.memref_slice %arg7[%dma_start3A_136] : memref<13312xi32, #tpu.memory_space<vmem>> -> memref<3328xi32, #tpu.memory_space<vmem>>
    %dma_start3A_138 = arith.constant 0 : i32
    %dma_start3A_139 = tpu.memref_slice %arg5[%dma_start3A_138] : memref<1000001xf32, #tpu.memory_space<vmem_shared>> -> memref<1000001xf32, #tpu.memory_space<vmem_shared>>
    tpu.enqueue_indirect_dma source(%dma_start3A_139 : memref<1000001xf32, #tpu.memory_space<vmem_shared>>) target(%dma_start3A_135 : memref<3328xf32, #tpu.memory_space<vmem>>) offsets(%dma_start3A_137 : memref<3328xi32, #tpu.memory_space<vmem>>) semaphore(%arg12 : memref<!tpu.dma_semaphore, #tpu.memory_space<semaphore_mem>>)
    %dma_start3A_140 = arith.constant 6656 : i32
    %dma_start3A_141 = tpu.memref_slice %arg8[%dma_start3A_140] : memref<13312xf32, #tpu.memory_space<vmem>> -> memref<3328xf32, #tpu.memory_space<vmem>>
    %dma_start3A_142 = arith.constant 6656 : i32
    %dma_start3A_143 = tpu.memref_slice %arg7[%dma_start3A_142] : memref<13312xi32, #tpu.memory_space<vmem>> -> memref<3328xi32, #tpu.memory_space<vmem>>
    %dma_start3A_144 = arith.constant 0 : i32
    %dma_start3A_145 = tpu.memref_slice %arg5[%dma_start3A_144] : memref<1000001xf32, #tpu.memory_space<vmem_shared>> -> memref<1000001xf32, #tpu.memory_space<vmem_shared>>
    tpu.enqueue_indirect_dma source(%dma_start3A_145 : memref<1000001xf32, #tpu.memory_space<vmem_shared>>) target(%dma_start3A_141 : memref<3328xf32, #tpu.memory_space<vmem>>) offsets(%dma_start3A_143 : memref<3328xi32, #tpu.memory_space<vmem>>) semaphore(%arg12 : memref<!tpu.dma_semaphore, #tpu.memory_space<semaphore_mem>>)
    %dma_start3A_146 = arith.constant 9984 : i32
    %dma_start3A_147 = tpu.memref_slice %arg8[%dma_start3A_146] : memref<13312xf32, #tpu.memory_space<vmem>> -> memref<3328xf32, #tpu.memory_space<vmem>>
    %dma_start3A_148 = arith.constant 9984 : i32
    %dma_start3A_149 = tpu.memref_slice %arg7[%dma_start3A_148] : memref<13312xi32, #tpu.memory_space<vmem>> -> memref<3328xi32, #tpu.memory_space<vmem>>
    %dma_start3A_150 = arith.constant 0 : i32
    %dma_start3A_151 = tpu.memref_slice %arg5[%dma_start3A_150] : memref<1000001xf32, #tpu.memory_space<vmem_shared>> -> memref<1000001xf32, #tpu.memory_space<vmem_shared>>
    tpu.enqueue_indirect_dma source(%dma_start3A_151 : memref<1000001xf32, #tpu.memory_space<vmem_shared>>) target(%dma_start3A_147 : memref<3328xf32, #tpu.memory_space<vmem>>) offsets(%dma_start3A_149 : memref<3328xi32, #tpu.memory_space<vmem>>) semaphore(%arg12 : memref<!tpu.dma_semaphore, #tpu.memory_space<semaphore_mem>>)
    %dma_wait3A_152 = arith.constant 0 : i32
    %dma_wait3A_153 = tpu.memref_slice %arg8[%dma_wait3A_152] : memref<13312xf32, #tpu.memory_space<vmem>> -> memref<3328xf32, #tpu.memory_space<vmem>>
    %dma_wait3A_154 = arith.constant 0 : i32
    %dma_wait3A_155 = tpu.memref_slice %arg7[%dma_wait3A_154] : memref<13312xi32, #tpu.memory_space<vmem>> -> memref<3328xi32, #tpu.memory_space<vmem>>
    %dma_wait3A_156 = arith.constant 0 : i32
    %dma_wait3A_157 = tpu.memref_slice %arg5[%dma_wait3A_156] : memref<1000001xf32, #tpu.memory_space<vmem_shared>> -> memref<1000001xf32, #tpu.memory_space<vmem_shared>>
    tpu.wait_indirect_dma semaphore(%arg12 : memref<!tpu.dma_semaphore, #tpu.memory_space<semaphore_mem>>) src(%dma_wait3A_157 : memref<1000001xf32, #tpu.memory_space<vmem_shared>>) dst(%dma_wait3A_153 : memref<3328xf32, #tpu.memory_space<vmem>>)
    %scan3A_158 = arith.constant 0 : i32
    %scan3A_159 = arith.constant 0 : i32
    %scan3A_160 = arith.constant 26 : i32
    %scan3A_161 = arith.addi %scan3A_159, %scan3A_160 : i32
    %scan3A_162 = arith.constant 1 : i32
    scf.for %scan3A_288 = %scan3A_159 to %scan3A_161 step %scan3A_162  : i32 {
      %mul3A_289 = arith.constant 128 : i32
      %mul3A_290 = arith.muli %scan3A_288, %mul3A_289 : i32
      %add3A_291 = arith.constant 0 : i32
      %add3A_292 = arith.addi %add3A_291, %mul3A_290 : i32
      %add3A_293 = arith.constant 0 : i32
      %add3A_294 = arith.addi %add3A_292, %add3A_293 : i32
      %get3A = arith.index_cast %add3A_294 : i32 to index
      %get3A_295 = tpu.vector_load %arg8[%get3A] {strides = array<i32>} : memref<13312xf32, #tpu.memory_space<vmem>>, vector<16xf32>,
      %swap3A = arith.index_cast %scan3A_288 : i32 to index
      %swap3A_296 = arith.constant 0 : index
      %swap3A_297 = tpu.vector_load %arg9[%swap3A, %swap3A_296] {strides = array<i32>} : memref<26x512xf32, #tpu.memory_space<vmem>>, vector<16xf32>,
      tpu.vector_store %arg9[%swap3A, %swap3A_296], %get3A_295 {strides = array<i32>} : memref<26x512xf32, #tpu.memory_space<vmem>>, vector<16xf32>,
      %add3A_298 = arith.constant 16 : i32
      %add3A_299 = arith.addi %add3A_292, %add3A_298 : i32
      %get3A_300 = arith.index_cast %add3A_299 : i32 to index
      %get3A_301 = tpu.vector_load %arg8[%get3A_300] {strides = array<i32>} : memref<13312xf32, #tpu.memory_space<vmem>>, vector<16xf32>,
      %swap3A_302 = arith.index_cast %scan3A_288 : i32 to index
      %swap3A_303 = arith.constant 16 : index
      %swap3A_304 = tpu.vector_load %arg9[%swap3A_302, %swap3A_303] {strides = array<i32>} : memref<26x512xf32, #tpu.memory_space<vmem>>, vector<16xf32>,
      tpu.vector_store %arg9[%swap3A_302, %swap3A_303], %get3A_301 {strides = array<i32>} : memref<26x512xf32, #tpu.memory_space<vmem>>, vector<16xf32>,
      %add3A_305 = arith.constant 32 : i32
      %add3A_306 = arith.addi %add3A_292, %add3A_305 : i32
      %get3A_307 = arith.index_cast %add3A_306 : i32 to index
      %get3A_308 = tpu.vector_load %arg8[%get3A_307] {strides = array<i32>} : memref<13312xf32, #tpu.memory_space<vmem>>, vector<16xf32>,
      %swap3A_309 = arith.index_cast %scan3A_288 : i32 to index
      %swap3A_310 = arith.constant 32 : index
      %swap3A_311 = tpu.vector_load %arg9[%swap3A_309, %swap3A_310] {strides = array<i32>} : memref<26x512xf32, #tpu.memory_space<vmem>>, vector<16xf32>,
      tpu.vector_store %arg9[%swap3A_309, %swap3A_310], %get3A_308 {strides = array<i32>} : memref<26x512xf32, #tpu.memory_space<vmem>>, vector<16xf32>,
      %add3A_312 = arith.constant 48 : i32
      %add3A_313 = arith.addi %add3A_292, %add3A_312 : i32
      %get3A_314 = arith.index_cast %add3A_313 : i32 to index
      %get3A_315 = tpu.vector_load %arg8[%get3A_314] {strides = array<i32>} : memref<13312xf32, #tpu.memory_space<vmem>>, vector<16xf32>,
      %swap3A_316 = arith.index_cast %scan3A_288 : i32 to index
      %swap3A_317 = arith.constant 48 : index
      %swap3A_318 = tpu.vector_load %arg9[%swap3A_316, %swap3A_317] {strides = array<i32>} : memref<26x512xf32, #tpu.memory_space<vmem>>, vector<16xf32>,
      tpu.vector_store %arg9[%swap3A_316, %swap3A_317], %get3A_315 {strides = array<i32>} : memref<26x512xf32, #tpu.memory_space<vmem>>, vector<16xf32>,
      %add3A_319 = arith.constant 64 : i32
      %add3A_320 = arith.addi %add3A_292, %add3A_319 : i32
      %get3A_321 = arith.index_cast %add3A_320 : i32 to index
      %get3A_322 = tpu.vector_load %arg8[%get3A_321] {strides = array<i32>} : memref<13312xf32, #tpu.memory_space<vmem>>, vector<16xf32>,
      %swap3A_323 = arith.index_cast %scan3A_288 : i32 to index
      %swap3A_324 = arith.constant 64 : index
      %swap3A_325 = tpu.vector_load %arg9[%swap3A_323, %swap3A_324] {strides = array<i32>} : memref<26x512xf32, #tpu.memory_space<vmem>>, vector<16xf32>,
      tpu.vector_store %arg9[%swap3A_323, %swap3A_324], %get3A_322 {strides = array<i32>} : memref<26x512xf32, #tpu.memory_space<vmem>>, vector<16xf32>,
      %add3A_326 = arith.constant 80 : i32
      %add3A_327 = arith.addi %add3A_292, %add3A_326 : i32
      %get3A_328 = arith.index_cast %add3A_327 : i32 to index
      %get3A_329 = tpu.vector_load %arg8[%get3A_328] {strides = array<i32>} : memref<13312xf32, #tpu.memory_space<vmem>>, vector<16xf32>,
      %swap3A_330 = arith.index_cast %scan3A_288 : i32 to index
      %swap3A_331 = arith.constant 80 : index
      %swap3A_332 = tpu.vector_load %arg9[%swap3A_330, %swap3A_331] {strides = array<i32>} : memref<26x512xf32, #tpu.memory_space<vmem>>, vector<16xf32>,
      tpu.vector_store %arg9[%swap3A_330, %swap3A_331], %get3A_329 {strides = array<i32>} : memref<26x512xf32, #tpu.memory_space<vmem>>, vector<16xf32>,
      %add3A_333 = arith.constant 96 : i32
      %add3A_334 = arith.addi %add3A_292, %add3A_333 : i32
      %get3A_335 = arith.index_cast %add3A_334 : i32 to index
      %get3A_336 = tpu.vector_load %arg8[%get3A_335] {strides = array<i32>} : memref<13312xf32, #tpu.memory_space<vmem>>, vector<16xf32>,
      %swap3A_337 = arith.index_cast %scan3A_288 : i32 to index
      %swap3A_338 = arith.constant 96 : index
      %swap3A_339 = tpu.vector_load %arg9[%swap3A_337, %swap3A_338] {strides = array<i32>} : memref<26x512xf32, #tpu.memory_space<vmem>>, vector<16xf32>,
      tpu.vector_store %arg9[%swap3A_337, %swap3A_338], %get3A_336 {strides = array<i32>} : memref<26x512xf32, #tpu.memory_space<vmem>>, vector<16xf32>,
      %add3A_340 = arith.constant 112 : i32
      %add3A_341 = arith.addi %add3A_292, %add3A_340 : i32
      %get3A_342 = arith.index_cast %add3A_341 : i32 to index
      %get3A_343 = tpu.vector_load %arg8[%get3A_342] {strides = array<i32>} : memref<13312xf32, #tpu.memory_space<vmem>>, vector<16xf32>,
      %swap3A_344 = arith.index_cast %scan3A_288 : i32 to index
      %swap3A_345 = arith.constant 112 : index
      %swap3A_346 = tpu.vector_load %arg9[%swap3A_344, %swap3A_345] {strides = array<i32>} : memref<26x512xf32, #tpu.memory_space<vmem>>, vector<16xf32>,
      tpu.vector_store %arg9[%swap3A_344, %swap3A_345], %get3A_343 {strides = array<i32>} : memref<26x512xf32, #tpu.memory_space<vmem>>, vector<16xf32>,
    }
    %scan3A_163 = arith.constant 26 : i32
    %add3A_164 = arith.constant 0 : i32
    %add3A_165 = arith.addi %mul3A_2, %add3A_164 : i32
    %dma_start3A_166 = arith.constant 0 : i32
    %dma_start3A_167 = arith.constant 0 : i32
    %dma_start3A_168 = tpu.memref_slice %arg9[%dma_start3A_166, %dma_start3A_167] : memref<26x512xf32, #tpu.memory_space<vmem>> -> memref<26x128xf32, #tpu.memory_space<vmem>>
    %dma_start3A_169 = arith.constant 0 : i32
    %dma_start3A_170 = tpu.memref_slice %arg4[%dma_start3A_169, %add3A_165] : memref<26x16384xf32, #tpu.memory_space<hbm>> -> memref<26x128xf32, #tpu.memory_space<hbm>>
    %dma_start3A_171 = arith.constant 0 : i32
    %dma_start3A_172 = tpu.memref_slice %arg4[%dma_start3A_171, %add3A_165] : memref<26x16384xf32, #tpu.memory_space<hbm>> -> memref<26x128xf32, #tpu.memory_space<hbm>>
    %dma_start3A_173 = arith.constant 0 : i32
    %dma_start3A_174 = arith.constant 0 : i32
    %dma_start3A_175 = tpu.memref_slice %arg9[%dma_start3A_173, %dma_start3A_174] : memref<26x512xf32, #tpu.memory_space<vmem>> -> memref<26x128xf32, #tpu.memory_space<vmem>>
    tpu.enqueue_dma source(%dma_start3A_175 : memref<26x128xf32, #tpu.memory_space<vmem>>) target(%dma_start3A_172 : memref<26x128xf32, #tpu.memory_space<hbm>>) target_semaphore(%arg13 : memref<!tpu.dma_semaphore, #tpu.memory_space<semaphore_mem>>)
    %dma_wait3A_176 = arith.constant 3328 : i32
    %dma_wait3A_177 = tpu.memref_slice %arg8[%dma_wait3A_176] : memref<13312xf32, #tpu.memory_space<vmem>> -> memref<3328xf32, #tpu.memory_space<vmem>>
    %dma_wait3A_178 = arith.constant 3328 : i32
    %dma_wait3A_179 = tpu.memref_slice %arg7[%dma_wait3A_178] : memref<13312xi32, #tpu.memory_space<vmem>> -> memref<3328xi32, #tpu.memory_space<vmem>>
    %dma_wait3A_180 = arith.constant 0 : i32
    %dma_wait3A_181 = tpu.memref_slice %arg5[%dma_wait3A_180] : memref<1000001xf32, #tpu.memory_space<vmem_shared>> -> memref<1000001xf32, #tpu.memory_space<vmem_shared>>
    tpu.wait_indirect_dma semaphore(%arg12 : memref<!tpu.dma_semaphore, #tpu.memory_space<semaphore_mem>>) src(%dma_wait3A_181 : memref<1000001xf32, #tpu.memory_space<vmem_shared>>) dst(%dma_wait3A_177 : memref<3328xf32, #tpu.memory_space<vmem>>)
    %scan3A_182 = arith.constant 0 : i32
    %scan3A_183 = arith.constant 0 : i32
    %scan3A_184 = arith.constant 26 : i32
    %scan3A_185 = arith.addi %scan3A_183, %scan3A_184 : i32
    %scan3A_186 = arith.constant 1 : i32
    scf.for %scan3A_288 = %scan3A_183 to %scan3A_185 step %scan3A_186  : i32 {
      %mul3A_289 = arith.constant 128 : i32
      %mul3A_290 = arith.muli %scan3A_288, %mul3A_289 : i32
      %add3A_291 = arith.constant 3328 : i32
      %add3A_292 = arith.addi %add3A_291, %mul3A_290 : i32
      %add3A_293 = arith.constant 0 : i32
      %add3A_294 = arith.addi %add3A_292, %add3A_293 : i32
      %get3A = arith.index_cast %add3A_294 : i32 to index
      %get3A_295 = tpu.vector_load %arg8[%get3A] {strides = array<i32>} : memref<13312xf32, #tpu.memory_space<vmem>>, vector<16xf32>,
      %swap3A = arith.index_cast %scan3A_288 : i32 to index
      %swap3A_296 = arith.constant 128 : index
      %swap3A_297 = tpu.vector_load %arg9[%swap3A, %swap3A_296] {strides = array<i32>} : memref<26x512xf32, #tpu.memory_space<vmem>>, vector<16xf32>,
      tpu.vector_store %arg9[%swap3A, %swap3A_296], %get3A_295 {strides = array<i32>} : memref<26x512xf32, #tpu.memory_space<vmem>>, vector<16xf32>,
      %add3A_298 = arith.constant 16 : i32
      %add3A_299 = arith.addi %add3A_292, %add3A_298 : i32
      %get3A_300 = arith.index_cast %add3A_299 : i32 to index
      %get3A_301 = tpu.vector_load %arg8[%get3A_300] {strides = array<i32>} : memref<13312xf32, #tpu.memory_space<vmem>>, vector<16xf32>,
      %swap3A_302 = arith.index_cast %scan3A_288 : i32 to index
      %swap3A_303 = arith.constant 144 : index
      %swap3A_304 = tpu.vector_load %arg9[%swap3A_302, %swap3A_303] {strides = array<i32>} : memref<26x512xf32, #tpu.memory_space<vmem>>, vector<16xf32>,
      tpu.vector_store %arg9[%swap3A_302, %swap3A_303], %get3A_301 {strides = array<i32>} : memref<26x512xf32, #tpu.memory_space<vmem>>, vector<16xf32>,
      %add3A_305 = arith.constant 32 : i32
      %add3A_306 = arith.addi %add3A_292, %add3A_305 : i32
      %get3A_307 = arith.index_cast %add3A_306 : i32 to index
      %get3A_308 = tpu.vector_load %arg8[%get3A_307] {strides = array<i32>} : memref<13312xf32, #tpu.memory_space<vmem>>, vector<16xf32>,
      %swap3A_309 = arith.index_cast %scan3A_288 : i32 to index
      %swap3A_310 = arith.constant 160 : index
      %swap3A_311 = tpu.vector_load %arg9[%swap3A_309, %swap3A_310] {strides = array<i32>} : memref<26x512xf32, #tpu.memory_space<vmem>>, vector<16xf32>,
      tpu.vector_store %arg9[%swap3A_309, %swap3A_310], %get3A_308 {strides = array<i32>} : memref<26x512xf32, #tpu.memory_space<vmem>>, vector<16xf32>,
      %add3A_312 = arith.constant 48 : i32
      %add3A_313 = arith.addi %add3A_292, %add3A_312 : i32
      %get3A_314 = arith.index_cast %add3A_313 : i32 to index
      %get3A_315 = tpu.vector_load %arg8[%get3A_314] {strides = array<i32>} : memref<13312xf32, #tpu.memory_space<vmem>>, vector<16xf32>,
      %swap3A_316 = arith.index_cast %scan3A_288 : i32 to index
      %swap3A_317 = arith.constant 176 : index
      %swap3A_318 = tpu.vector_load %arg9[%swap3A_316, %swap3A_317] {strides = array<i32>} : memref<26x512xf32, #tpu.memory_space<vmem>>, vector<16xf32>,
      tpu.vector_store %arg9[%swap3A_316, %swap3A_317], %get3A_315 {strides = array<i32>} : memref<26x512xf32, #tpu.memory_space<vmem>>, vector<16xf32>,
      %add3A_319 = arith.constant 64 : i32
      %add3A_320 = arith.addi %add3A_292, %add3A_319 : i32
      %get3A_321 = arith.index_cast %add3A_320 : i32 to index
      %get3A_322 = tpu.vector_load %arg8[%get3A_321] {strides = array<i32>} : memref<13312xf32, #tpu.memory_space<vmem>>, vector<16xf32>,
      %swap3A_323 = arith.index_cast %scan3A_288 : i32 to index
      %swap3A_324 = arith.constant 192 : index
      %swap3A_325 = tpu.vector_load %arg9[%swap3A_323, %swap3A_324] {strides = array<i32>} : memref<26x512xf32, #tpu.memory_space<vmem>>, vector<16xf32>,
      tpu.vector_store %arg9[%swap3A_323, %swap3A_324], %get3A_322 {strides = array<i32>} : memref<26x512xf32, #tpu.memory_space<vmem>>, vector<16xf32>,
      %add3A_326 = arith.constant 80 : i32
      %add3A_327 = arith.addi %add3A_292, %add3A_326 : i32
      %get3A_328 = arith.index_cast %add3A_327 : i32 to index
      %get3A_329 = tpu.vector_load %arg8[%get3A_328] {strides = array<i32>} : memref<13312xf32, #tpu.memory_space<vmem>>, vector<16xf32>,
      %swap3A_330 = arith.index_cast %scan3A_288 : i32 to index
      %swap3A_331 = arith.constant 208 : index
      %swap3A_332 = tpu.vector_load %arg9[%swap3A_330, %swap3A_331] {strides = array<i32>} : memref<26x512xf32, #tpu.memory_space<vmem>>, vector<16xf32>,
      tpu.vector_store %arg9[%swap3A_330, %swap3A_331], %get3A_329 {strides = array<i32>} : memref<26x512xf32, #tpu.memory_space<vmem>>, vector<16xf32>,
      %add3A_333 = arith.constant 96 : i32
      %add3A_334 = arith.addi %add3A_292, %add3A_333 : i32
      %get3A_335 = arith.index_cast %add3A_334 : i32 to index
      %get3A_336 = tpu.vector_load %arg8[%get3A_335] {strides = array<i32>} : memref<13312xf32, #tpu.memory_space<vmem>>, vector<16xf32>,
      %swap3A_337 = arith.index_cast %scan3A_288 : i32 to index
      %swap3A_338 = arith.constant 224 : index
      %swap3A_339 = tpu.vector_load %arg9[%swap3A_337, %swap3A_338] {strides = array<i32>} : memref<26x512xf32, #tpu.memory_space<vmem>>, vector<16xf32>,
      tpu.vector_store %arg9[%swap3A_337, %swap3A_338], %get3A_336 {strides = array<i32>} : memref<26x512xf32, #tpu.memory_space<vmem>>, vector<16xf32>,
      %add3A_340 = arith.constant 112 : i32
      %add3A_341 = arith.addi %add3A_292, %add3A_340 : i32
      %get3A_342 = arith.index_cast %add3A_341 : i32 to index
      %get3A_343 = tpu.vector_load %arg8[%get3A_342] {strides = array<i32>} : memref<13312xf32, #tpu.memory_space<vmem>>, vector<16xf32>,
      %swap3A_344 = arith.index_cast %scan3A_288 : i32 to index
      %swap3A_345 = arith.constant 240 : index
      %swap3A_346 = tpu.vector_load %arg9[%swap3A_344, %swap3A_345] {strides = array<i32>} : memref<26x512xf32, #tpu.memory_space<vmem>>, vector<16xf32>,
      tpu.vector_store %arg9[%swap3A_344, %swap3A_345], %get3A_343 {strides = array<i32>} : memref<26x512xf32, #tpu.memory_space<vmem>>, vector<16xf32>,
    }
    %scan3A_187 = arith.constant 26 : i32
    %add3A_188 = arith.constant 128 : i32
    %add3A_189 = arith.addi %mul3A_2, %add3A_188 : i32
    %dma_start3A_190 = arith.constant 0 : i32
    %dma_start3A_191 = arith.constant 128 : i32
    %dma_start3A_192 = tpu.memref_slice %arg9[%dma_start3A_190, %dma_start3A_191] : memref<26x512xf32, #tpu.memory_space<vmem>> -> memref<26x128xf32, #tpu.memory_space<vmem>>
    %dma_start3A_193 = arith.constant 0 : i32
    %dma_start3A_194 = tpu.memref_slice %arg4[%dma_start3A_193, %add3A_189] : memref<26x16384xf32, #tpu.memory_space<hbm>> -> memref<26x128xf32, #tpu.memory_space<hbm>>
    %dma_start3A_195 = arith.constant 0 : i32
    %dma_start3A_196 = tpu.memref_slice %arg4[%dma_start3A_195, %add3A_189] : memref<26x16384xf32, #tpu.memory_space<hbm>> -> memref<26x128xf32, #tpu.memory_space<hbm>>
    %dma_start3A_197 = arith.constant 0 : i32
    %dma_start3A_198 = arith.constant 128 : i32
    %dma_start3A_199 = tpu.memref_slice %arg9[%dma_start3A_197, %dma_start3A_198] : memref<26x512xf32, #tpu.memory_space<vmem>> -> memref<26x128xf32, #tpu.memory_space<vmem>>
    tpu.enqueue_dma source(%dma_start3A_199 : memref<26x128xf32, #tpu.memory_space<vmem>>) target(%dma_start3A_196 : memref<26x128xf32, #tpu.memory_space<hbm>>) target_semaphore(%arg13 : memref<!tpu.dma_semaphore, #tpu.memory_space<semaphore_mem>>)
    %dma_wait3A_200 = arith.constant 6656 : i32
    %dma_wait3A_201 = tpu.memref_slice %arg8[%dma_wait3A_200] : memref<13312xf32, #tpu.memory_space<vmem>> -> memref<3328xf32, #tpu.memory_space<vmem>>
    %dma_wait3A_202 = arith.constant 6656 : i32
    %dma_wait3A_203 = tpu.memref_slice %arg7[%dma_wait3A_202] : memref<13312xi32, #tpu.memory_space<vmem>> -> memref<3328xi32, #tpu.memory_space<vmem>>
    %dma_wait3A_204 = arith.constant 0 : i32
    %dma_wait3A_205 = tpu.memref_slice %arg5[%dma_wait3A_204] : memref<1000001xf32, #tpu.memory_space<vmem_shared>> -> memref<1000001xf32, #tpu.memory_space<vmem_shared>>
    tpu.wait_indirect_dma semaphore(%arg12 : memref<!tpu.dma_semaphore, #tpu.memory_space<semaphore_mem>>) src(%dma_wait3A_205 : memref<1000001xf32, #tpu.memory_space<vmem_shared>>) dst(%dma_wait3A_201 : memref<3328xf32, #tpu.memory_space<vmem>>)
    %scan3A_206 = arith.constant 0 : i32
    %scan3A_207 = arith.constant 0 : i32
    %scan3A_208 = arith.constant 26 : i32
    %scan3A_209 = arith.addi %scan3A_207, %scan3A_208 : i32
    %scan3A_210 = arith.constant 1 : i32
    scf.for %scan3A_288 = %scan3A_207 to %scan3A_209 step %scan3A_210  : i32 {
      %mul3A_289 = arith.constant 128 : i32
      %mul3A_290 = arith.muli %scan3A_288, %mul3A_289 : i32
      %add3A_291 = arith.constant 6656 : i32
      %add3A_292 = arith.addi %add3A_291, %mul3A_290 : i32
      %add3A_293 = arith.constant 0 : i32
      %add3A_294 = arith.addi %add3A_292, %add3A_293 : i32
      %get3A = arith.index_cast %add3A_294 : i32 to index
      %get3A_295 = tpu.vector_load %arg8[%get3A] {strides = array<i32>} : memref<13312xf32, #tpu.memory_space<vmem>>, vector<16xf32>,
      %swap3A = arith.index_cast %scan3A_288 : i32 to index
      %swap3A_296 = arith.constant 256 : index
      %swap3A_297 = tpu.vector_load %arg9[%swap3A, %swap3A_296] {strides = array<i32>} : memref<26x512xf32, #tpu.memory_space<vmem>>, vector<16xf32>,
      tpu.vector_store %arg9[%swap3A, %swap3A_296], %get3A_295 {strides = array<i32>} : memref<26x512xf32, #tpu.memory_space<vmem>>, vector<16xf32>,
      %add3A_298 = arith.constant 16 : i32
      %add3A_299 = arith.addi %add3A_292, %add3A_298 : i32
      %get3A_300 = arith.index_cast %add3A_299 : i32 to index
      %get3A_301 = tpu.vector_load %arg8[%get3A_300] {strides = array<i32>} : memref<13312xf32, #tpu.memory_space<vmem>>, vector<16xf32>,
      %swap3A_302 = arith.index_cast %scan3A_288 : i32 to index
      %swap3A_303 = arith.constant 272 : index
      %swap3A_304 = tpu.vector_load %arg9[%swap3A_302, %swap3A_303] {strides = array<i32>} : memref<26x512xf32, #tpu.memory_space<vmem>>, vector<16xf32>,
      tpu.vector_store %arg9[%swap3A_302, %swap3A_303], %get3A_301 {strides = array<i32>} : memref<26x512xf32, #tpu.memory_space<vmem>>, vector<16xf32>,
      %add3A_305 = arith.constant 32 : i32
      %add3A_306 = arith.addi %add3A_292, %add3A_305 : i32
      %get3A_307 = arith.index_cast %add3A_306 : i32 to index
      %get3A_308 = tpu.vector_load %arg8[%get3A_307] {strides = array<i32>} : memref<13312xf32, #tpu.memory_space<vmem>>, vector<16xf32>,
      %swap3A_309 = arith.index_cast %scan3A_288 : i32 to index
      %swap3A_310 = arith.constant 288 : index
      %swap3A_311 = tpu.vector_load %arg9[%swap3A_309, %swap3A_310] {strides = array<i32>} : memref<26x512xf32, #tpu.memory_space<vmem>>, vector<16xf32>,
      tpu.vector_store %arg9[%swap3A_309, %swap3A_310], %get3A_308 {strides = array<i32>} : memref<26x512xf32, #tpu.memory_space<vmem>>, vector<16xf32>,
      %add3A_312 = arith.constant 48 : i32
      %add3A_313 = arith.addi %add3A_292, %add3A_312 : i32
      %get3A_314 = arith.index_cast %add3A_313 : i32 to index
      %get3A_315 = tpu.vector_load %arg8[%get3A_314] {strides = array<i32>} : memref<13312xf32, #tpu.memory_space<vmem>>, vector<16xf32>,
      %swap3A_316 = arith.index_cast %scan3A_288 : i32 to index
      %swap3A_317 = arith.constant 304 : index
      %swap3A_318 = tpu.vector_load %arg9[%swap3A_316, %swap3A_317] {strides = array<i32>} : memref<26x512xf32, #tpu.memory_space<vmem>>, vector<16xf32>,
      tpu.vector_store %arg9[%swap3A_316, %swap3A_317], %get3A_315 {strides = array<i32>} : memref<26x512xf32, #tpu.memory_space<vmem>>, vector<16xf32>,
      %add3A_319 = arith.constant 64 : i32
      %add3A_320 = arith.addi %add3A_292, %add3A_319 : i32
      %get3A_321 = arith.index_cast %add3A_320 : i32 to index
      %get3A_322 = tpu.vector_load %arg8[%get3A_321] {strides = array<i32>} : memref<13312xf32, #tpu.memory_space<vmem>>, vector<16xf32>,
      %swap3A_323 = arith.index_cast %scan3A_288 : i32 to index
      %swap3A_324 = arith.constant 320 : index
      %swap3A_325 = tpu.vector_load %arg9[%swap3A_323, %swap3A_324] {strides = array<i32>} : memref<26x512xf32, #tpu.memory_space<vmem>>, vector<16xf32>,
      tpu.vector_store %arg9[%swap3A_323, %swap3A_324], %get3A_322 {strides = array<i32>} : memref<26x512xf32, #tpu.memory_space<vmem>>, vector<16xf32>,
      %add3A_326 = arith.constant 80 : i32
      %add3A_327 = arith.addi %add3A_292, %add3A_326 : i32
      %get3A_328 = arith.index_cast %add3A_327 : i32 to index
      %get3A_329 = tpu.vector_load %arg8[%get3A_328] {strides = array<i32>} : memref<13312xf32, #tpu.memory_space<vmem>>, vector<16xf32>,
      %swap3A_330 = arith.index_cast %scan3A_288 : i32 to index
      %swap3A_331 = arith.constant 336 : index
      %swap3A_332 = tpu.vector_load %arg9[%swap3A_330, %swap3A_331] {strides = array<i32>} : memref<26x512xf32, #tpu.memory_space<vmem>>, vector<16xf32>,
      tpu.vector_store %arg9[%swap3A_330, %swap3A_331], %get3A_329 {strides = array<i32>} : memref<26x512xf32, #tpu.memory_space<vmem>>, vector<16xf32>,
      %add3A_333 = arith.constant 96 : i32
      %add3A_334 = arith.addi %add3A_292, %add3A_333 : i32
      %get3A_335 = arith.index_cast %add3A_334 : i32 to index
      %get3A_336 = tpu.vector_load %arg8[%get3A_335] {strides = array<i32>} : memref<13312xf32, #tpu.memory_space<vmem>>, vector<16xf32>,
      %swap3A_337 = arith.index_cast %scan3A_288 : i32 to index
      %swap3A_338 = arith.constant 352 : index
      %swap3A_339 = tpu.vector_load %arg9[%swap3A_337, %swap3A_338] {strides = array<i32>} : memref<26x512xf32, #tpu.memory_space<vmem>>, vector<16xf32>,
      tpu.vector_store %arg9[%swap3A_337, %swap3A_338], %get3A_336 {strides = array<i32>} : memref<26x512xf32, #tpu.memory_space<vmem>>, vector<16xf32>,
      %add3A_340 = arith.constant 112 : i32
      %add3A_341 = arith.addi %add3A_292, %add3A_340 : i32
      %get3A_342 = arith.index_cast %add3A_341 : i32 to index
      %get3A_343 = tpu.vector_load %arg8[%get3A_342] {strides = array<i32>} : memref<13312xf32, #tpu.memory_space<vmem>>, vector<16xf32>,
      %swap3A_344 = arith.index_cast %scan3A_288 : i32 to index
      %swap3A_345 = arith.constant 368 : index
      %swap3A_346 = tpu.vector_load %arg9[%swap3A_344, %swap3A_345] {strides = array<i32>} : memref<26x512xf32, #tpu.memory_space<vmem>>, vector<16xf32>,
      tpu.vector_store %arg9[%swap3A_344, %swap3A_345], %get3A_343 {strides = array<i32>} : memref<26x512xf32, #tpu.memory_space<vmem>>, vector<16xf32>,
    }
    %scan3A_211 = arith.constant 26 : i32
    %add3A_212 = arith.constant 256 : i32
    %add3A_213 = arith.addi %mul3A_2, %add3A_212 : i32
    %dma_start3A_214 = arith.constant 0 : i32
    %dma_start3A_215 = arith.constant 256 : i32
    %dma_start3A_216 = tpu.memref_slice %arg9[%dma_start3A_214, %dma_start3A_215] : memref<26x512xf32, #tpu.memory_space<vmem>> -> memref<26x128xf32, #tpu.memory_space<vmem>>
    %dma_start3A_217 = arith.constant 0 : i32
    %dma_start3A_218 = tpu.memref_slice %arg4[%dma_start3A_217, %add3A_213] : memref<26x16384xf32, #tpu.memory_space<hbm>> -> memref<26x128xf32, #tpu.memory_space<hbm>>
    %dma_start3A_219 = arith.constant 0 : i32
    %dma_start3A_220 = tpu.memref_slice %arg4[%dma_start3A_219, %add3A_213] : memref<26x16384xf32, #tpu.memory_space<hbm>> -> memref<26x128xf32, #tpu.memory_space<hbm>>
    %dma_start3A_221 = arith.constant 0 : i32
    %dma_start3A_222 = arith.constant 256 : i32
    %dma_start3A_223 = tpu.memref_slice %arg9[%dma_start3A_221, %dma_start3A_222] : memref<26x512xf32, #tpu.memory_space<vmem>> -> memref<26x128xf32, #tpu.memory_space<vmem>>
    tpu.enqueue_dma source(%dma_start3A_223 : memref<26x128xf32, #tpu.memory_space<vmem>>) target(%dma_start3A_220 : memref<26x128xf32, #tpu.memory_space<hbm>>) target_semaphore(%arg13 : memref<!tpu.dma_semaphore, #tpu.memory_space<semaphore_mem>>)
    %dma_wait3A_224 = arith.constant 9984 : i32
    %dma_wait3A_225 = tpu.memref_slice %arg8[%dma_wait3A_224] : memref<13312xf32, #tpu.memory_space<vmem>> -> memref<3328xf32, #tpu.memory_space<vmem>>
    %dma_wait3A_226 = arith.constant 9984 : i32
    %dma_wait3A_227 = tpu.memref_slice %arg7[%dma_wait3A_226] : memref<13312xi32, #tpu.memory_space<vmem>> -> memref<3328xi32, #tpu.memory_space<vmem>>
    %dma_wait3A_228 = arith.constant 0 : i32
    %dma_wait3A_229 = tpu.memref_slice %arg5[%dma_wait3A_228] : memref<1000001xf32, #tpu.memory_space<vmem_shared>> -> memref<1000001xf32, #tpu.memory_space<vmem_shared>>
    tpu.wait_indirect_dma semaphore(%arg12 : memref<!tpu.dma_semaphore, #tpu.memory_space<semaphore_mem>>) src(%dma_wait3A_229 : memref<1000001xf32, #tpu.memory_space<vmem_shared>>) dst(%dma_wait3A_225 : memref<3328xf32, #tpu.memory_space<vmem>>)
    %scan3A_230 = arith.constant 0 : i32
    %scan3A_231 = arith.constant 0 : i32
    %scan3A_232 = arith.constant 26 : i32
    %scan3A_233 = arith.addi %scan3A_231, %scan3A_232 : i32
    %scan3A_234 = arith.constant 1 : i32
    scf.for %scan3A_288 = %scan3A_231 to %scan3A_233 step %scan3A_234  : i32 {
      %mul3A_289 = arith.constant 128 : i32
      %mul3A_290 = arith.muli %scan3A_288, %mul3A_289 : i32
      %add3A_291 = arith.constant 9984 : i32
      %add3A_292 = arith.addi %add3A_291, %mul3A_290 : i32
      %add3A_293 = arith.constant 0 : i32
      %add3A_294 = arith.addi %add3A_292, %add3A_293 : i32
      %get3A = arith.index_cast %add3A_294 : i32 to index
      %get3A_295 = tpu.vector_load %arg8[%get3A] {strides = array<i32>} : memref<13312xf32, #tpu.memory_space<vmem>>, vector<16xf32>,
      %swap3A = arith.index_cast %scan3A_288 : i32 to index
      %swap3A_296 = arith.constant 384 : index
      %swap3A_297 = tpu.vector_load %arg9[%swap3A, %swap3A_296] {strides = array<i32>} : memref<26x512xf32, #tpu.memory_space<vmem>>, vector<16xf32>,
      tpu.vector_store %arg9[%swap3A, %swap3A_296], %get3A_295 {strides = array<i32>} : memref<26x512xf32, #tpu.memory_space<vmem>>, vector<16xf32>,
      %add3A_298 = arith.constant 16 : i32
      %add3A_299 = arith.addi %add3A_292, %add3A_298 : i32
      %get3A_300 = arith.index_cast %add3A_299 : i32 to index
      %get3A_301 = tpu.vector_load %arg8[%get3A_300] {strides = array<i32>} : memref<13312xf32, #tpu.memory_space<vmem>>, vector<16xf32>,
      %swap3A_302 = arith.index_cast %scan3A_288 : i32 to index
      %swap3A_303 = arith.constant 400 : index
      %swap3A_304 = tpu.vector_load %arg9[%swap3A_302, %swap3A_303] {strides = array<i32>} : memref<26x512xf32, #tpu.memory_space<vmem>>, vector<16xf32>,
      tpu.vector_store %arg9[%swap3A_302, %swap3A_303], %get3A_301 {strides = array<i32>} : memref<26x512xf32, #tpu.memory_space<vmem>>, vector<16xf32>,
      %add3A_305 = arith.constant 32 : i32
      %add3A_306 = arith.addi %add3A_292, %add3A_305 : i32
      %get3A_307 = arith.index_cast %add3A_306 : i32 to index
      %get3A_308 = tpu.vector_load %arg8[%get3A_307] {strides = array<i32>} : memref<13312xf32, #tpu.memory_space<vmem>>, vector<16xf32>,
      %swap3A_309 = arith.index_cast %scan3A_288 : i32 to index
      %swap3A_310 = arith.constant 416 : index
      %swap3A_311 = tpu.vector_load %arg9[%swap3A_309, %swap3A_310] {strides = array<i32>} : memref<26x512xf32, #tpu.memory_space<vmem>>, vector<16xf32>,
      tpu.vector_store %arg9[%swap3A_309, %swap3A_310], %get3A_308 {strides = array<i32>} : memref<26x512xf32, #tpu.memory_space<vmem>>, vector<16xf32>,
      %add3A_312 = arith.constant 48 : i32
      %add3A_313 = arith.addi %add3A_292, %add3A_312 : i32
      %get3A_314 = arith.index_cast %add3A_313 : i32 to index
      %get3A_315 = tpu.vector_load %arg8[%get3A_314] {strides = array<i32>} : memref<13312xf32, #tpu.memory_space<vmem>>, vector<16xf32>,
      %swap3A_316 = arith.index_cast %scan3A_288 : i32 to index
      %swap3A_317 = arith.constant 432 : index
      %swap3A_318 = tpu.vector_load %arg9[%swap3A_316, %swap3A_317] {strides = array<i32>} : memref<26x512xf32, #tpu.memory_space<vmem>>, vector<16xf32>,
      tpu.vector_store %arg9[%swap3A_316, %swap3A_317], %get3A_315 {strides = array<i32>} : memref<26x512xf32, #tpu.memory_space<vmem>>, vector<16xf32>,
      %add3A_319 = arith.constant 64 : i32
      %add3A_320 = arith.addi %add3A_292, %add3A_319 : i32
      %get3A_321 = arith.index_cast %add3A_320 : i32 to index
      %get3A_322 = tpu.vector_load %arg8[%get3A_321] {strides = array<i32>} : memref<13312xf32, #tpu.memory_space<vmem>>, vector<16xf32>,
      %swap3A_323 = arith.index_cast %scan3A_288 : i32 to index
      %swap3A_324 = arith.constant 448 : index
      %swap3A_325 = tpu.vector_load %arg9[%swap3A_323, %swap3A_324] {strides = array<i32>} : memref<26x512xf32, #tpu.memory_space<vmem>>, vector<16xf32>,
      tpu.vector_store %arg9[%swap3A_323, %swap3A_324], %get3A_322 {strides = array<i32>} : memref<26x512xf32, #tpu.memory_space<vmem>>, vector<16xf32>,
      %add3A_326 = arith.constant 80 : i32
      %add3A_327 = arith.addi %add3A_292, %add3A_326 : i32
      %get3A_328 = arith.index_cast %add3A_327 : i32 to index
      %get3A_329 = tpu.vector_load %arg8[%get3A_328] {strides = array<i32>} : memref<13312xf32, #tpu.memory_space<vmem>>, vector<16xf32>,
      %swap3A_330 = arith.index_cast %scan3A_288 : i32 to index
      %swap3A_331 = arith.constant 464 : index
      %swap3A_332 = tpu.vector_load %arg9[%swap3A_330, %swap3A_331] {strides = array<i32>} : memref<26x512xf32, #tpu.memory_space<vmem>>, vector<16xf32>,
      tpu.vector_store %arg9[%swap3A_330, %swap3A_331], %get3A_329 {strides = array<i32>} : memref<26x512xf32, #tpu.memory_space<vmem>>, vector<16xf32>,
      %add3A_333 = arith.constant 96 : i32
      %add3A_334 = arith.addi %add3A_292, %add3A_333 : i32
      %get3A_335 = arith.index_cast %add3A_334 : i32 to index
      %get3A_336 = tpu.vector_load %arg8[%get3A_335] {strides = array<i32>} : memref<13312xf32, #tpu.memory_space<vmem>>, vector<16xf32>,
      %swap3A_337 = arith.index_cast %scan3A_288 : i32 to index
      %swap3A_338 = arith.constant 480 : index
      %swap3A_339 = tpu.vector_load %arg9[%swap3A_337, %swap3A_338] {strides = array<i32>} : memref<26x512xf32, #tpu.memory_space<vmem>>, vector<16xf32>,
      tpu.vector_store %arg9[%swap3A_337, %swap3A_338], %get3A_336 {strides = array<i32>} : memref<26x512xf32, #tpu.memory_space<vmem>>, vector<16xf32>,
      %add3A_340 = arith.constant 112 : i32
      %add3A_341 = arith.addi %add3A_292, %add3A_340 : i32
      %get3A_342 = arith.index_cast %add3A_341 : i32 to index
      %get3A_343 = tpu.vector_load %arg8[%get3A_342] {strides = array<i32>} : memref<13312xf32, #tpu.memory_space<vmem>>, vector<16xf32>,
      %swap3A_344 = arith.index_cast %scan3A_288 : i32 to index
      %swap3A_345 = arith.constant 496 : index
      %swap3A_346 = tpu.vector_load %arg9[%swap3A_344, %swap3A_345] {strides = array<i32>} : memref<26x512xf32, #tpu.memory_space<vmem>>, vector<16xf32>,
      tpu.vector_store %arg9[%swap3A_344, %swap3A_345], %get3A_343 {strides = array<i32>} : memref<26x512xf32, #tpu.memory_space<vmem>>, vector<16xf32>,
    }
    %scan3A_235 = arith.constant 26 : i32
    %add3A_236 = arith.constant 384 : i32
    %add3A_237 = arith.addi %mul3A_2, %add3A_236 : i32
    %dma_start3A_238 = arith.constant 0 : i32
    %dma_start3A_239 = arith.constant 384 : i32
    %dma_start3A_240 = tpu.memref_slice %arg9[%dma_start3A_238, %dma_start3A_239] : memref<26x512xf32, #tpu.memory_space<vmem>> -> memref<26x128xf32, #tpu.memory_space<vmem>>
    %dma_start3A_241 = arith.constant 0 : i32
    %dma_start3A_242 = tpu.memref_slice %arg4[%dma_start3A_241, %add3A_237] : memref<26x16384xf32, #tpu.memory_space<hbm>> -> memref<26x128xf32, #tpu.memory_space<hbm>>
    %dma_start3A_243 = arith.constant 0 : i32
    %dma_start3A_244 = tpu.memref_slice %arg4[%dma_start3A_243, %add3A_237] : memref<26x16384xf32, #tpu.memory_space<hbm>> -> memref<26x128xf32, #tpu.memory_space<hbm>>
    %dma_start3A_245 = arith.constant 0 : i32
    %dma_start3A_246 = arith.constant 384 : i32
    %dma_start3A_247 = tpu.memref_slice %arg9[%dma_start3A_245, %dma_start3A_246] : memref<26x512xf32, #tpu.memory_space<vmem>> -> memref<26x128xf32, #tpu.memory_space<vmem>>
    tpu.enqueue_dma source(%dma_start3A_247 : memref<26x128xf32, #tpu.memory_space<vmem>>) target(%dma_start3A_244 : memref<26x128xf32, #tpu.memory_space<hbm>>) target_semaphore(%arg13 : memref<!tpu.dma_semaphore, #tpu.memory_space<semaphore_mem>>)
    %dma_wait3A_248 = arith.constant 0 : i32
    %dma_wait3A_249 = arith.constant 0 : i32
    %dma_wait3A_250 = tpu.memref_slice %arg9[%dma_wait3A_248, %dma_wait3A_249] : memref<26x512xf32, #tpu.memory_space<vmem>> -> memref<26x128xf32, #tpu.memory_space<vmem>>
    %dma_wait3A_251 = arith.constant 0 : i32
    %dma_wait3A_252 = tpu.memref_slice %arg4[%dma_wait3A_251, %add3A_165] : memref<26x16384xf32, #tpu.memory_space<hbm>> -> memref<26x128xf32, #tpu.memory_space<hbm>>
    %dma_wait3A_253 = arith.constant 0 : i32
    %dma_wait3A_254 = tpu.memref_slice %arg4[%dma_wait3A_253, %add3A_165] : memref<26x16384xf32, #tpu.memory_space<hbm>> -> memref<26x128xf32, #tpu.memory_space<hbm>>
    %dma_wait3A_255 = arith.constant 0 : i32
    %dma_wait3A_256 = arith.constant 0 : i32
    %dma_wait3A_257 = tpu.memref_slice %arg9[%dma_wait3A_255, %dma_wait3A_256] : memref<26x512xf32, #tpu.memory_space<vmem>> -> memref<26x128xf32, #tpu.memory_space<vmem>>
    tpu.wait_dma2 semaphore(%arg13 : memref<!tpu.dma_semaphore, #tpu.memory_space<semaphore_mem>>) src(%dma_wait3A_257 : memref<26x128xf32, #tpu.memory_space<vmem>>) dst(%dma_wait3A_254 : memref<26x128xf32, #tpu.memory_space<hbm>>)
    %dma_wait3A_258 = arith.constant 0 : i32
    %dma_wait3A_259 = arith.constant 128 : i32
    %dma_wait3A_260 = tpu.memref_slice %arg9[%dma_wait3A_258, %dma_wait3A_259] : memref<26x512xf32, #tpu.memory_space<vmem>> -> memref<26x128xf32, #tpu.memory_space<vmem>>
    %dma_wait3A_261 = arith.constant 0 : i32
    %dma_wait3A_262 = tpu.memref_slice %arg4[%dma_wait3A_261, %add3A_189] : memref<26x16384xf32, #tpu.memory_space<hbm>> -> memref<26x128xf32, #tpu.memory_space<hbm>>
    %dma_wait3A_263 = arith.constant 0 : i32
    %dma_wait3A_264 = tpu.memref_slice %arg4[%dma_wait3A_263, %add3A_189] : memref<26x16384xf32, #tpu.memory_space<hbm>> -> memref<26x128xf32, #tpu.memory_space<hbm>>
    %dma_wait3A_265 = arith.constant 0 : i32
    %dma_wait3A_266 = arith.constant 128 : i32
    %dma_wait3A_267 = tpu.memref_slice %arg9[%dma_wait3A_265, %dma_wait3A_266] : memref<26x512xf32, #tpu.memory_space<vmem>> -> memref<26x128xf32, #tpu.memory_space<vmem>>
    tpu.wait_dma2 semaphore(%arg13 : memref<!tpu.dma_semaphore, #tpu.memory_space<semaphore_mem>>) src(%dma_wait3A_267 : memref<26x128xf32, #tpu.memory_space<vmem>>) dst(%dma_wait3A_264 : memref<26x128xf32, #tpu.memory_space<hbm>>)
    %dma_wait3A_268 = arith.constant 0 : i32
    %dma_wait3A_269 = arith.constant 256 : i32
    %dma_wait3A_270 = tpu.memref_slice %arg9[%dma_wait3A_268, %dma_wait3A_269] : memref<26x512xf32, #tpu.memory_space<vmem>> -> memref<26x128xf32, #tpu.memory_space<vmem>>
    %dma_wait3A_271 = arith.constant 0 : i32
    %dma_wait3A_272 = tpu.memref_slice %arg4[%dma_wait3A_271, %add3A_213] : memref<26x16384xf32, #tpu.memory_space<hbm>> -> memref<26x128xf32, #tpu.memory_space<hbm>>
    %dma_wait3A_273 = arith.constant 0 : i32
    %dma_wait3A_274 = tpu.memref_slice %arg4[%dma_wait3A_273, %add3A_213] : memref<26x16384xf32, #tpu.memory_space<hbm>> -> memref<26x128xf32, #tpu.memory_space<hbm>>
    %dma_wait3A_275 = arith.constant 0 : i32
    %dma_wait3A_276 = arith.constant 256 : i32
    %dma_wait3A_277 = tpu.memref_slice %arg9[%dma_wait3A_275, %dma_wait3A_276] : memref<26x512xf32, #tpu.memory_space<vmem>> -> memref<26x128xf32, #tpu.memory_space<vmem>>
    tpu.wait_dma2 semaphore(%arg13 : memref<!tpu.dma_semaphore, #tpu.memory_space<semaphore_mem>>) src(%dma_wait3A_277 : memref<26x128xf32, #tpu.memory_space<vmem>>) dst(%dma_wait3A_274 : memref<26x128xf32, #tpu.memory_space<hbm>>)
    %dma_wait3A_278 = arith.constant 0 : i32
    %dma_wait3A_279 = arith.constant 384 : i32
    %dma_wait3A_280 = tpu.memref_slice %arg9[%dma_wait3A_278, %dma_wait3A_279] : memref<26x512xf32, #tpu.memory_space<vmem>> -> memref<26x128xf32, #tpu.memory_space<vmem>>
    %dma_wait3A_281 = arith.constant 0 : i32
    %dma_wait3A_282 = tpu.memref_slice %arg4[%dma_wait3A_281, %add3A_237] : memref<26x16384xf32, #tpu.memory_space<hbm>> -> memref<26x128xf32, #tpu.memory_space<hbm>>
    %dma_wait3A_283 = arith.constant 0 : i32
    %dma_wait3A_284 = tpu.memref_slice %arg4[%dma_wait3A_283, %add3A_237] : memref<26x16384xf32, #tpu.memory_space<hbm>> -> memref<26x128xf32, #tpu.memory_space<hbm>>
    %dma_wait3A_285 = arith.constant 0 : i32
    %dma_wait3A_286 = arith.constant 384 : i32
    %dma_wait3A_287 = tpu.memref_slice %arg9[%dma_wait3A_285, %dma_wait3A_286] : memref<26x512xf32, #tpu.memory_space<vmem>> -> memref<26x128xf32, #tpu.memory_space<vmem>>
    tpu.wait_dma2 semaphore(%arg13 : memref<!tpu.dma_semaphore, #tpu.memory_space<semaphore_mem>>) src(%dma_wait3A_287 : memref<26x128xf32, #tpu.memory_space<vmem>>) dst(%dma_wait3A_284 : memref<26x128xf32, #tpu.memory_space<hbm>>)
    return
  }
}

</mosaic_0001>

<sc_bundles>
// kernel: kernel.3.cloned.1.call-start
scs
__scs_entry_jumppad:
0x0: {  	(pc) =	sbr.rel $0x88, $3  }
0x1: {  	(tag) =	ssettag $0x0;
	lr =	simm.s32 $0x1  }
0x2: {  	[smem:$0x3F9F] =	sst lr;
	_ =	strace $0xD0000000  }
0x3: {  	_ = 	snop  }
0x4: {  	_ = 	snop  }
0x5: {  	_ = 	snop  }
0x6: {  	_ = 	snop  }
0x7: {  	_ = 	snop  }
__scs_overlays_trampoline_lowered:
0x8: {  	[smem:$0x3FAE] =	sst s0  }
0x9: {  	[smem:$0x3FAF] =	sst s1  }
0xa: {  	[smem:$0x3FB0] =	sst s2  }
0xb: {  	[smem:$0x3FB1] =	sst s3  }
0xc: {  	[smem:$0x3FB2] =	sst s4  }
0xd: {  	[smem:$0x3FB3] =	sst s5  }
0xe: {  	[smem:$0x3FB4] =	sst s6  }
0xf: {  	[smem:$0x3FB5] =	sst s7  }
0x10: {  	[smem:$0x3FB6] =	sst s8  }
0x11: {  	[smem:$0x3FB7] =	sst s9;
	s0 =	simm.s32 @!p0 $0x0  }
0x12: {  	s1 =	sld [smem:$0x3F9D];
	s0 =	simm.s32 @p0 $0x1  }
0x13: {  	[smem:$0x3FB8] =	sst s0;
	s0 =	simm.s32 @!p1 $0x0  }
0x14: {  	s2 =	sld [smem:$0x3F9C];
	s0 =	simm.s32 @p1 $0x1  }
0x15: {  	[smem:$0x3FB9] =	sst s0;
	s0 =	simm.s32 @!p2 $0x0  }
0x16: {  	s3 =	sld [smem:$0x3FDB];
	s0 =	simm.s32 @p2 $0x1  }
0x17: {  	s4 =	simm.s32 $0x1BF5;
	[smem:$0x3FBB] =	sst s0  }
0x18: {  	s0 =	sld [smem:$0x3F9E];
	_ =	swait.ge [sflag:s4], $0x0  }
0x19: {  	s7 =	sld [smem:$0x3F9F]  }
0x1a: {  	s8 =	sadd.s32 $0xFFFFE003, lr  }
0x1b: {  	s9 =	sadd.s32 $0xFFFFFEF7, lr;
	s5 =	simm.s32 $0xFFFFFFFF;
	p2 =	slt.u32 s8, $0xFFFFF086  }
0x1c: {  	p1 =	slt.u32 s9, $0xF7A;
	s5 =	simm.s32 @!p2 $0x0  }
0x1d: {  	s5 =	simm.s32 @p1 $0x1;
	p0 =	seq.s32 s7, s2  }
0x1e: {  	s7 =	smul.u32 @!p0 $0xF7A, s2;
	p2 =	seq.s32 @!p0 s5, $0x0  }
0x1f: {  	s9 =	smul.u32 $0xF7A, s1;
	s8 =	simm.s32 @!p0 $0x1BF5;
	p2 =	por !p2, p0  }
0x20: {  	[sflag:s8] =	ssyncset.s32 @!p0 $0xFFFFF086;
	s6 =	sadd.s32 @!p0 s3, s7;
	s7 =	simm.s32 @!p0 $0x108  }
0x21: {  	s3 =	sadd.s32 s3, s9;
	s6 =	sadd.s32 @!p0 $0x88, s6;
	s7 =	simm.s32 @p2 $0x1082  }
0x22: {  	[simem:s7], [sflag:s8] =	dma.local @!p0 [hbm:s6], $0xF7A  }
0x23: {  	s9 =	sor.u32 $0xD0000000, s2;
	s6 =	simm.s32 $0x108;
	_ =	swait.ge @!p0 [sflag:s8], $0x0  }
0x24: {  	s3 =	sadd.s32 $0x88, s3;
	s6 =	simm.s32 @!p1 $0x1082;
	[sflag:s4] =	ssyncset.s32 $0xFFFFF086  }
0x25: {  	[simem:s6], [sflag:s4] =	dma.local [hbm:s3], $0xF7A  }
0x26: {  	[smem:$0x3F9F] =	sst s1;
	(tag) =	ssettag s2;
	_ =	strace s9  }
0x27: {  	s1 =	sld [smem:$0x3FAF]  }
0x28: {  	s2 =	sld [smem:$0x3FB0]  }
0x29: {  	s4 =	sld [smem:$0x3FB2]  }
0x2a: {  	p0 =	seq.s32 s5, $0x0;
	s5 =	sld [smem:$0x3FB3]  }
0x2b: {  	s6 =	sld [smem:$0x3FB4]  }
0x2c: {  	s7 =	sld [smem:$0x3FB5]  }
0x2d: {  	s3 =	simm.s32 $0x108;
	s8 =	sld [smem:$0x3FB6]  }
0x2e: {  	s3 =	simm.s32 @!p0 $0x1082;
	s9 =	sld [smem:$0x3FB7]  }
0x2f: {  	lr =	sadd.s32 s0, s3;
	s0 =	sld [smem:$0x3FAE]  }
0x30: {  	s3 =	sld [smem:$0x3FB1]  }
0x31: {  	[smem:$0x3FBA] =	sst s10  }
0x32: {  	s10 =	sld [smem:$0x3FB8];
	_ =	sdelay $0x3  }
0x33: {  	p0 =	seq.s32 s10, $0x1;
	s10 =	sld [smem:$0x3FBA];
	_ =	sdelay $0x3  }
0x34: {  	[smem:$0x3FBA] =	sst s10  }
0x35: {  	s10 =	sld [smem:$0x3FB9];
	_ =	sdelay $0x3  }
0x36: {  	p1 =	seq.s32 s10, $0x1;
	s10 =	sld [smem:$0x3FBA];
	_ =	sdelay $0x3  }
0x37: {  	[smem:$0x3FBA] =	sst s10  }
0x38: {  	s10 =	sld [smem:$0x3FBB]  }
0x39: {  	_ = 	snop;
	(pc) =	sbr.ind lr, $3  }
0x3a: {  	_ = 	snop  }
0x3b: {  	_ = 	snop  }
0x3c: {  	p2 =	seq.s32 s10, $0x1;
	s10 =	sld [smem:$0x3FBA]  }
0x3d: {  	_ =	shalt  }
0x3e: {  	_ =	shalt  }
0x3f: {  	_ =	shalt  }
0x40: {  	_ =	shalt  }
0x41: {  	_ =	shalt  }
0x42: {  	_ =	shalt  }
0x43: {  	_ =	shalt  }
0x44: {  	_ =	shalt  }
0x45: {  	_ =	shalt  }
0x46: {  	_ =	shalt  }
0x47: {  	_ =	shalt  }
0x48: {  	_ =	shalt  }
0x49: {  	_ =	shalt  }
0x4a: {  	_ =	shalt  }
0x4b: {  	_ =	shalt  }
0x4c: {  	_ =	shalt  }
0x4d: {  	_ =	shalt  }
0x4e: {  	_ =	shalt  }
0x4f: {  	_ =	shalt  }
0x50: {  	_ =	shalt  }
0x51: {  	_ =	shalt  }
0x52: {  	_ =	shalt  }
0x53: {  	_ =	shalt  }
0x54: {  	_ =	shalt  }
0x55: {  	_ =	shalt  }
0x56: {  	_ =	shalt  }
0x57: {  	_ =	shalt  }
0x58: {  	_ =	shalt  }
0x59: {  	_ =	shalt  }
0x5a: {  	_ =	shalt  }
0x5b: {  	_ =	shalt  }
0x5c: {  	_ =	shalt  }
0x5d: {  	_ =	shalt  }
0x5e: {  	_ =	shalt  }
0x5f: {  	_ =	shalt  }
0x60: {  	_ =	shalt  }
0x61: {  	_ =	shalt  }
0x62: {  	_ =	shalt  }
0x63: {  	_ =	shalt  }
0x64: {  	_ =	shalt  }
0x65: {  	_ =	shalt  }
0x66: {  	_ =	shalt  }
0x67: {  	_ =	shalt  }
0x68: {  	_ =	shalt  }
0x69: {  	_ =	shalt  }
0x6a: {  	_ =	shalt  }
0x6b: {  	_ =	shalt  }
0x6c: {  	_ =	shalt  }
0x6d: {  	_ =	shalt  }
0x6e: {  	_ =	shalt  }
0x6f: {  	_ =	shalt  }
0x70: {  	_ =	shalt  }
0x71: {  	_ =	shalt  }
0x72: {  	_ =	shalt  }
0x73: {  	_ =	shalt  }
0x74: {  	_ =	shalt  }
0x75: {  	_ =	shalt  }
0x76: {  	_ =	shalt  }
0x77: {  	_ =	shalt  }
0x78: {  	_ =	shalt  }
0x79: {  	_ =	shalt  }
0x7a: {  	_ =	shalt  }
0x7b: {  	_ =	shalt  }
0x7c: {  	_ =	shalt  }
0x7d: {  	_ =	shalt  }
0x7e: {  	_ =	shalt  }
0x7f: {  	_ =	shalt  }
0x80: {  	_ =	shalt  }
0x81: {  	_ =	shalt  }
0x82: {  	_ =	shalt  }
0x83: {  	_ =	shalt  }
0x84: {  	_ =	shalt  }
0x85: {  	_ =	shalt  }
0x86: {  	_ =	shalt  }
0x87: {  	_ =	shalt  }
.Lfunc_end0:
.L_simem_size_0:
called_computation_lowered:
.L_overlay_start_0:
0x88: {  	s2 =	sld [smem:$0x3FD9]  }
0x89: {  	s3 =	sld [smem:$0x3FFE];
	_ =	sdelay $0x1  }
0x8a: {  	s1 =	srdreg.scid  }
0x8b: {  	s0 =	sand.u32 $0x1, s1  }
0x8c: {  	s18 =	sshll.u32 s0, $0xA;
	s2 =	sadd.s32 s3, s2  }
0x8d: {  	s2 =	sadd.s32 s2, s18  }
0x8e: {  	[smem:$0x3FC6] =	sst s2  }
0x8f: {  	_ = 	snop  }
0x90: {  	s2 =	sld [smem:$0x3FC9]  }
0x91: {  	s19 =	sld [smem:$0x3FC8]  }
0x92: {  	s4 =	sld [smem:$0x3FD0];
	(tm) =	ssettm $0x1  }
0x93: {  	s5 =	sld [smem:$0x3FFB];
	_ =	sdelay $0x3  }
0x94: {  	_ =	strace s5  }
0x95: {  	s5 =	sld [smem:$0x3FFC];
	_ =	sdelay $0x3  }
0x96: {  	_ =	strace s5  }
0x97: {  	s5 =	sld [smem:$0x3FFD];
	_ =	sdelay $0x3  }
0x98: {  	_ =	strace s5  }
0x99: {  	_ =	strace $0x8FFFFFFF  }
0x9a: {  	s20 =	sld [smem:$0x3FDB];
	_ =	sdelay $0x1  }
0x9b: {  	s6 =	simm.s32 $_scs_section_size  }
0x9c: {  	s7 =	simm.s32 $_size__tile_overlayer_lowered;
	s8 =	simm.s32 $_tile_overlayer_lowered  }
0x9d: {  	s23 =	simm.s32 $0x1BFF;
	s22 =	sshll.u32 s8, $0x1;
	s5 =	sadd.s32 s6, s20  }
0x9e: {  	s9 =	simm.s32 $0x0;
	s21 =	sshll.u32 s7, $0x1;
	s7 =	sadd.s32 s22, s5  }
0x9f: {  	[timem:s9], [sflag:s23] =	dma.local [hbm:s7], s21  }
0xa0: {  	_ =	swait.ge [sflag:s23], s21  }
0xa1: {  	s6 =	ssub.s32 $0x0, s21;
	[sflag:s23] =	ssyncset.done $0x0  }
0xa2: {  	[sflag:s23] =	ssyncadd.s32 s6;
	_ =	sdelay $0x1  }
0xa3: {  	s24 =	simm.s32 $0x1B8B  }
0xa4: {  	_ =	swait.ge [sflag:s24], $0x1  }
0xa5: {  	[sflag:s24] =	ssyncset.done $0x0  }
0xa6: {  	s25 =	simm.s32 $0x1B8E;
	[sflag:s24] =	ssyncadd.s32 $0xFFFFFFFF  }
0xa7: {  	s26 =	simm.s32 $execute0_lowered;
	[smem:$0x3FD2] =	sst s25  }
0xa8: {  	s6 =	sshll.u32 s26, $0x1;
	_ =	strace $0x80000046;
	[dreg:$0x1] =	wrdreg $0xFFFFFFFF  }
0xa9: {  	s28 =	simm.s32 $_size_execute0_lowered;
	s5 =	sadd.s32 s5, s6;
	[dreg:$0x0] =	wrdreg $0x0  }
0xaa: {  	s6 =	sshll.u32 s28, $0x1;
	[dreg:$0x2] =	wrdreg s5  }
0xab: {  	[dreg:$0x3] =	wrdreg s6  }
0xac: {  	[dreg:$0x4] =	wrdreg $0xC0  }
0xad: {  	_ =	task [dreg:s9], $0x5FFFF  }
0xae: {  	[dreg:$0x1] =	wrdreg $0xFFFFFFFF  }
0xaf: {  	[dreg:$0x0] =	wrdreg $0x60  }
0xb0: {  	[dreg:$0x2] =	wrdreg s19  }
0xb1: {  	[dreg:$0x3] =	wrdreg s2  }
0xb2: {  	[dreg:$0x4] =	wrdreg s4  }
0xb3: {  	[dreg:$0x5] =	wrdreg $0x0  }
0xb4: {  	[dreg:$0x6] =	wrdreg $0x9  }
0xb5: {  	_ =	task.clear_ibuf [dreg:s9], $0x7FFFF;
	_ =	strace $0x90000046  }
0xb6: {  	s29 =	simm.s32 $0x9;
	_ =	strace $0x80000048  }
0xb7: {  	_ =	swait.ge [sflag:s29], $0x1  }
0xb8: {  	[sflag:s29] =	ssyncadd.s32 $0xFFFFFFFF  }
0xb9: {  	_ =	strace $0x90000048  }
0xba: {  	_ =	sfence  }
0xbb: {  	s30 =	sld [smem:$0x0];
	_ =	sdelay $0x2  }
0xbc: {  	s31 =	sshll.u32 s1, $0xD;
	s1 =	sshrl.u32 s1, $0x2  }
0xbd: {  	s3 =	sand.u32 $0x4000, s31;
	s1 =	sadd.s32 s1, s30  }
0xbe: {  	s0 =	sor.u32 s3, s0;
	s1 =	sshll.u32 s1, $0x11  }
0xbf: {  	s0 =	sor.u32 s1, s0  }
0xc0: {  	s0 =	sadd.s32 $0x8F2B, s0  }
0xc1: {  	[sflag:s0] =	ssyncadd.remote.s32 $0x1  }
0xc2: {  	_ =	sfence.sel $0xFFFF  }
0xc3: {  	[dreg:$0x0] =	wrdreg $0xFFFFFFFF;
	(pc) =	sbr.abs _section_cstart, $3  }
0xc4: {  	[dreg:$0x1] =	wrdreg $0xFFFFFFFF  }
0xc5: {  	_ =	task.clear_ibuf [dreg:s9], $0x2FFFF;
	_ =	strace $0x9FFFFFFF  }
0xc6: {  	(tm) =	ssettm $0x7FFFFFFF  }
0xc7: {  	_ =	shalt  }
tec
execute0_lowered:
.L_overlay_start_1:
0x0: {  	(tag) =	ssettag $0x1  }
0x1: {  	s0 =	rddreg [dreg:$0x0]  }
0x2: {  	s2 =	rddreg [dreg:$0x1]  }
0x3: {  	s8 =	rddreg [dreg:$0x2]  }
0x4: {  	s1 =	rddreg [dreg:$0x3];
	s3 =	simm.s32 $0x0;
	s4 =	srdreg.scid  }
0x5: {  	s17 =	stileid.u32;
	[smem:$0x7FF] =	sst s3  }
0x6: {  	s4 =	sand.u32 $0x1, s4;
	s6 =	sshll.u32 s17, $0xA;
	s12 =	smul.u32 $0xF480, s17  }
0x7: {  	s16 =	sadd.s32 $0xE5380, s1;
	s20 =	sadd.s32 $0x1CA70, s0;
	s21 =	sadd.s32 $0xF4200, s1  }
0x8: {  	p0 =	seq.s32 s17, $0xF;
	_ =	strace $0x80000047;
	[dreg:$0x6] =	wrdreg s20  }
0x9: {  	s5 =	ssub.s32 $0x2, s4;
	s4 =	sshll.u32 s4, $0x9;
	[dreg:$0x8] =	wrdreg s21  }
0xa: {  	s7 =	sshrl.u32 s5, $0x1;
	s9 =	sor.u32 s4, s6;
	s13 =	sshrl.u32 s12, $0x3  }
0xb: {  	s10 =	ssub.s32 s5, s7;
	s11 =	sor.u32 $0x80, s9;
	s4 =	sadd.s32 s2, s9  }
0xc: {  	s14 =	sor.u32 $0x100, s9;
	s15 =	sor.u32 $0x180, s9;
	s19 =	sadd.s32 s0, s13  }
0xd: {  	s0 =	sadd.s32 $0x1E840, s0;
	s5 =	sadd.s32 s2, s11;
	s6 =	sadd.s32 s2, s14  }
0xe: {  	s7 =	sadd.s32 s2, s15;
	s2 =	sadd.s32 s12, s1;
	[dreg:$0x5] =	wrdreg s19  }
0xf: {  	[dreg:$0x7] =	wrdreg s0;
	s12 =	sadd.s32 s8, s9;
	s13 =	sadd.s32 s8, s11  }
0x10: {  	s14 =	sadd.s32 s8, s14;
	s15 =	sadd.s32 s8, s15;
	s22 =	smax.u32 s10, $0x1  }
0x11: {  	s23 =	sadd.s32 $0x4000, s4;
	s24 =	sadd.s32 $0x8000, s4;
	[dreg:$0x9] =	wrdreg s22  }
0x12: {  	s25 =	sadd.s32 $0xC000, s4;
	s0 =	simm.s32 $0x1;
	[dreg:$0xa] =	wrdreg s23  }
0x13: {  	s8 =	simm.s32 $0x2;
	s9 =	simm.s32 $0x3;
	[dreg:$0xb] =	wrdreg s24  }
0x14: {  	s10 =	simm.s32 $0x0;
	[dreg:$0xc] =	wrdreg s25;
	s26 =	sadd.s32 $0x4000, s5  }
0x15: {  	s21 =	sadd.s32 $0x8000, s5;
	s22 =	sadd.s32 $0xC000, s5;
	s23 =	sadd.s32 $0x4000, s6  }
0x16: {  	s24 =	sshrl.u32 @p0 s16, $0x3;
	s25 =	sshrl.u32 @!p0 s2, $0x3;
	s28 =	sadd.s32 $0xC000, s6  }
0x17: {  	s29 =	sadd.s32 $0x4000, s7;
	s30 =	sadd.s32 $0x8000, s7;
	s31 =	sadd.s32 $0xC000, s7  }
0x18: {  	s2 =	simm.s32 $0xD00;
	[dreg:$0xd] =	wrdreg s26;
	s26 =	sadd.s32 $0x8000, s6  }
.LBB2_1:
0x19: {  	s11 =	simm.s32 $0xF428  }
0x1a: {  	[tilespmem:s11], [sflag:$0x1] =	stream.linear.gather [hbm4b:s4+s3], $0x400, $0x38;
	[tilespmem:$0x1DCA8] =	vst v63  }
0x1b: {  	s20 =	rddreg [dreg:$0xa];
	s16 =	simm.s32 $0x10428  }
0x1c: {  	[tilespmem:s16], [sflag:$0x1] =	stream.linear.gather [hbm4b:s20+s3], $0x400, $0x38;
	[tilespmem:$0x1DCA8] =	vst v63  }
0x1d: {  	s17 =	rddreg [dreg:$0xb];
	s18 =	simm.s32 $0x11428  }
0x1e: {  	[tilespmem:s18], [sflag:$0x1] =	stream.linear.gather [hbm4b:s17+s3], $0x400, $0x38;
	[tilespmem:$0x1DCA8] =	vst v63  }
0x1f: {  	s19 =	rddreg [dreg:$0xc];
	s20 =	simm.s32 $0x12428  }
0x20: {  	[tilespmem:s20], [sflag:$0x1] =	stream.linear.gather [hbm4b:s19+s3], $0x400, $0x38;
	[tilespmem:$0x1DCA8] =	vst v63  }
0x21: {  	s16 =	simm.s32 $0xF828  }
0x22: {  	[tilespmem:s16], [sflag:$0x1] =	stream.linear.gather [hbm4b:s5+s3], $0x400, $0x38;
	[tilespmem:$0x1DCA8] =	vst v63  }
0x23: {  	s17 =	rddreg [dreg:$0xd];
	s18 =	simm.s32 $0x10828  }
0x24: {  	[tilespmem:s18], [sflag:$0x1] =	stream.linear.gather [hbm4b:s17+s3], $0x400, $0x38;
	[tilespmem:$0x1DCA8] =	vst v63  }
0x25: {  	s19 =	simm.s32 $0x11828  }
0x26: {  	[tilespmem:s19], [sflag:$0x1] =	stream.linear.gather [hbm4b:s21+s3], $0x400, $0x38;
	[tilespmem:$0x1DCA8] =	vst v63  }
0x27: {  	s20 =	simm.s32 $0x12828  }
0x28: {  	[tilespmem:s20], [sflag:$0x1] =	stream.linear.gather [hbm4b:s22+s3], $0x400, $0x38;
	[tilespmem:$0x1DCA8] =	vst v63  }
0x29: {  	s16 =	simm.s32 $0xFC28  }
0x2a: {  	[tilespmem:s16], [sflag:$0x1] =	stream.linear.gather [hbm4b:s6+s3], $0x400, $0x38;
	[tilespmem:$0x1DCA8] =	vst v63  }
0x2b: {  	s17 =	simm.s32 $0x10C28  }
0x2c: {  	[tilespmem:s17], [sflag:$0x1] =	stream.linear.gather [hbm4b:s23+s3], $0x400, $0x38;
	[tilespmem:$0x1DCA8] =	vst v63  }
0x2d: {  	s18 =	simm.s32 $0x11C28  }
0x2e: {  	[tilespmem:s18], [sflag:$0x1] =	stream.linear.gather [hbm4b:s26+s3], $0x400, $0x38;
	[tilespmem:$0x1DCA8] =	vst v63  }
0x2f: {  	s19 =	simm.s32 $0x12C28  }
0x30: {  	[tilespmem:s19], [sflag:$0x1] =	stream.linear.gather [hbm4b:s28+s3], $0x400, $0x38;
	[tilespmem:$0x1DCA8] =	vst v63  }
0x31: {  	s20 =	simm.s32 $0x10028  }
0x32: {  	[tilespmem:s20], [sflag:$0x1] =	stream.linear.gather [hbm4b:s7+s3], $0x400, $0x38;
	[tilespmem:$0x1DCA8] =	vst v63  }
0x33: {  	s16 =	simm.s32 $0x11028  }
0x34: {  	[tilespmem:s16], [sflag:$0x1] =	stream.linear.gather [hbm4b:s29+s3], $0x400, $0x38;
	[tilespmem:$0x1DCA8] =	vst v63  }
0x35: {  	s17 =	simm.s32 $0x12028  }
0x36: {  	[tilespmem:s17], [sflag:$0x1] =	stream.linear.gather [hbm4b:s30+s3], $0x400, $0x38;
	[tilespmem:$0x1DCA8] =	vst v63  }
0x37: {  	s11 =	simm.s32 @p0 $0x1FC4;
	s18 =	simm.s32 $0x13028;
	s16 =	rddreg [dreg:$0x6]  }
0x38: {  	[tilespmem:s18], [sflag:$0x1] =	stream.linear.gather [hbm4b:s31+s3], $0x400, $0x38;
	[tilespmem:$0x1DCA8] =	vst v63  }
0x39: {  	[spmem:s24], [sflag:s11] =	dma.local @p0 [hbm:s16], $0x1DD0  }
0x3a: {  	s11 =	simm.s32 @p0 $0x0;
	s16 =	simm.s32 @p0 $0x1DC28;
	s17 =	rddreg [dreg:$0x7]  }
0x3b: {  	[tilespmem:s16], [sflag:$0x5] =	stream.linear.gather @p0 [hbm4b:s17+s11], $0x41, $0x38;
	[tilespmem:$0x1DCA8] =	vst v63  }
0x3c: {  	s11 =	simm.s32 @p0 $0x5  }
0x3d: {  	_ =	swait.ge @p0 [sflag:s11], $0x41  }
0x3e: {  	[sflag:s11] =	ssyncset.done @p0 $0x0  }
0x3f: {  	s17 =	rddreg [dreg:$0x8];
	[sflag:s11] =	ssyncadd.s32 @p0 $0xFFFFFFBF  }
0x40: {  	[spmem:s17] =	stream.linear.scatter @p0 [tilespmem:s16], [sflag:$0x5], $0x41, $0x38;
	[tilespmem:$0x1DCA8] =	vst v63  }
0x41: {  	s16 =	stileid.u32;
	_ =	swait.ge @p0 [sflag:s11], $0x41  }
0x42: {  	s16 =	sshll.u32 @!p0 s16, $0x6;
	[sflag:s11] =	ssyncset.done @p0 $0x0  }
0x43: {  	[sflag:s11] =	ssyncadd.s32 @p0 $0xFFFFFFBF;
	s11 =	sor.u32 @!p0 $0x1C04, s16;
	s16 =	rddreg [dreg:$0x5]  }
0x44: {  	[spmem:s25], [sflag:s11] =	dma.local @!p0 [hbm:s16], $0x1E90  }
0x45: {  	_ =	swait.ge [sflag:s0], $0x1000  }
0x46: {  	s19 =	sand.u32 $0x3000, s3;
	s20 =	sand.u32 $0x380, s3;
	[sflag:s0] =	ssyncset.done $0x0  }
0x47: {  	s18 =	sor.u32 s20, s19;
	[sflag:s0] =	ssyncadd.s32 $0xFFFFF000  }
0x48: {  	v0 =	vld [tilespmem:s18+$0xF428];
	_ =	sdelay $0x3  }
0x49: {  	s11 =	simm.s32 $0x0  }
0x4a: {  	[tilespmem:s11+$0x13428] =	vst v0  }
0x4b: {  	v0 =	vld [tilespmem:s18+$0xF438];
	_ =	sdelay $0x4  }
0x4c: {  	[tilespmem:s11+$0x13438] =	vst v0  }
0x4d: {  	v0 =	vld [tilespmem:s18+$0xF448];
	_ =	sdelay $0x4  }
0x4e: {  	[tilespmem:s11+$0x13448] =	vst v0  }
0x4f: {  	v0 =	vld [tilespmem:s18+$0xF458];
	_ =	sdelay $0x4  }
0x50: {  	[tilespmem:s11+$0x13458] =	vst v0  }
0x51: {  	v0 =	vld [tilespmem:s18+$0xF468];
	_ =	sdelay $0x4  }
0x52: {  	[tilespmem:s11+$0x13468] =	vst v0  }
0x53: {  	v0 =	vld [tilespmem:s18+$0xF478];
	_ =	sdelay $0x4  }
0x54: {  	[tilespmem:s11+$0x13478] =	vst v0  }
0x55: {  	v0 =	vld [tilespmem:s18+$0xF488];
	_ =	sdelay $0x4  }
0x56: {  	[tilespmem:s11+$0x13488] =	vst v0  }
0x57: {  	v0 =	vld [tilespmem:s18+$0xF498];
	_ =	sdelay $0x2  }
0x58: {  	s17 =	simm.s32 $0x80;
	s16 =	simm.s32 $0x200  }
0x59: {  	s20 =	sand.u32 $0x380, s17;
	s19 =	sand.u32 $0x3000, s16;
	s18 =	simm.s32 $0x400  }
.LBB2_2:
0x5a: {  	p1 =	sne.s32 s18, $0x3200;
	s19 =	sor.u32 s20, s19;
	[tilespmem:s11+$0x13498] =	vst v0  }
0x5b: {  	v0 =	vld [tilespmem:s19+$0xF428];
	_ =	sdelay $0x3  }
0x5c: {  	s11 =	sshra.s32 s16, $0x2;
	s16 =	smov.u32 s18  }
0x5d: {  	[tilespmem:s11+$0x13428] =	vst v0  }
0x5e: {  	v0 =	vld [tilespmem:s19+$0xF438];
	_ =	sdelay $0x4  }
0x5f: {  	[tilespmem:s11+$0x13438] =	vst v0  }
0x60: {  	v0 =	vld [tilespmem:s19+$0xF448];
	_ =	sdelay $0x4  }
0x61: {  	[tilespmem:s11+$0x13448] =	vst v0  }
0x62: {  	v0 =	vld [tilespmem:s19+$0xF458];
	_ =	sdelay $0x4  }
0x63: {  	[tilespmem:s11+$0x13458] =	vst v0  }
0x64: {  	v0 =	vld [tilespmem:s19+$0xF468];
	_ =	sdelay $0x4  }
0x65: {  	[tilespmem:s11+$0x13468] =	vst v0  }
0x66: {  	v0 =	vld [tilespmem:s19+$0xF478];
	_ =	sdelay $0x4  }
0x67: {  	[tilespmem:s11+$0x13478] =	vst v0  }
0x68: {  	v0 =	vld [tilespmem:s19+$0xF488];
	_ =	sdelay $0x4  }
0x69: {  	[tilespmem:s11+$0x13488] =	vst v0  }
.Ltmp0:
0x6a: {  	v0 =	vld [tilespmem:s19+$0xF498];
	(pc) =	sbr.rel @p1 .LBB2_2-.Ltmp0, $3  }
0x6b: {  	_ =	sdelay $0x1  }
0x6c: {  	s17 =	sadd.s32 $0x80, s17  }
0x6d: {  	s18 =	sadd.s32 $0x200, s18;
	s20 =	sand.u32 $0x380, s17;
	s19 =	sand.u32 $0x3000, s16  }
0x6e: {  	s17 =	sor.u32 s20, s19;
	[tilespmem:s11+$0x13498] =	vst v0  }
0x6f: {  	v0 =	vld [tilespmem:s17+$0xF428];
	_ =	sdelay $0x3  }
0x70: {  	s18 =	sshra.s32 s16, $0x2  }
0x71: {  	[tilespmem:s18+$0x13428] =	vst v0  }
0x72: {  	v0 =	vld [tilespmem:s17+$0xF438];
	_ =	sdelay $0x4  }
0x73: {  	[tilespmem:s18+$0x13438] =	vst v0  }
0x74: {  	v0 =	vld [tilespmem:s17+$0xF448];
	_ =	sdelay $0x4  }
0x75: {  	[tilespmem:s18+$0x13448] =	vst v0  }
0x76: {  	v0 =	vld [tilespmem:s17+$0xF458];
	_ =	sdelay $0x4  }
0x77: {  	[tilespmem:s18+$0x13458] =	vst v0  }
0x78: {  	v0 =	vld [tilespmem:s17+$0xF468];
	_ =	sdelay $0x4  }
0x79: {  	[tilespmem:s18+$0x13468] =	vst v0  }
0x7a: {  	v0 =	vld [tilespmem:s17+$0xF478];
	_ =	sdelay $0x4  }
0x7b: {  	[tilespmem:s18+$0x13478] =	vst v0  }
0x7c: {  	v0 =	vld [tilespmem:s17+$0xF488];
	_ =	sdelay $0x4  }
0x7d: {  	[tilespmem:s18+$0x13488] =	vst v0  }
0x7e: {  	v0 =	vld [tilespmem:s17+$0xF498];
	_ =	sdelay $0x4  }
0x7f: {  	[tilespmem:s18+$0x13498] =	vst v0  }
0x80: {  	s19 =	simm.s32 $0x0;
	_ =	swait.ge [sflag:s0], $0x1000  }
0x81: {  	s20 =	sand.u32 $0x3000, s19;
	s11 =	sand.u32 $0x380, s19;
	[sflag:s0] =	ssyncset.done $0x0  }
0x82: {  	s18 =	sor.u32 s11, s20;
	[sflag:s0] =	ssyncadd.s32 $0xFFFFF000  }
0x83: {  	v0 =	vld [tilespmem:s18+$0xF828];
	_ =	sdelay $0x3  }
0x84: {  	s11 =	simm.s32 $0x0  }
0x85: {  	[tilespmem:s11+$0x14128] =	vst v0  }
0x86: {  	v0 =	vld [tilespmem:s18+$0xF838];
	_ =	sdelay $0x4  }
0x87: {  	[tilespmem:s11+$0x14138] =	vst v0  }
0x88: {  	v0 =	vld [tilespmem:s18+$0xF848];
	_ =	sdelay $0x4  }
0x89: {  	[tilespmem:s11+$0x14148] =	vst v0  }
0x8a: {  	v0 =	vld [tilespmem:s18+$0xF858];
	_ =	sdelay $0x4  }
0x8b: {  	[tilespmem:s11+$0x14158] =	vst v0  }
0x8c: {  	v0 =	vld [tilespmem:s18+$0xF868];
	_ =	sdelay $0x4  }
0x8d: {  	[tilespmem:s11+$0x14168] =	vst v0  }
0x8e: {  	v0 =	vld [tilespmem:s18+$0xF878];
	_ =	sdelay $0x4  }
0x8f: {  	[tilespmem:s11+$0x14178] =	vst v0  }
0x90: {  	v0 =	vld [tilespmem:s18+$0xF888];
	_ =	sdelay $0x4  }
0x91: {  	[tilespmem:s11+$0x14188] =	vst v0  }
0x92: {  	v0 =	vld [tilespmem:s18+$0xF898];
	_ =	sdelay $0x2  }
0x93: {  	s16 =	simm.s32 $0x200;
	s17 =	simm.s32 $0x80  }
0x94: {  	s19 =	sand.u32 $0x3000, s16;
	s20 =	sand.u32 $0x380, s17;
	s18 =	simm.s32 $0x400  }
.LBB2_4:
0x95: {  	p1 =	sne.s32 s18, $0x3200;
	s19 =	sor.u32 s20, s19;
	[tilespmem:s11+$0x14198] =	vst v0  }
0x96: {  	v0 =	vld [tilespmem:s19+$0xF828];
	_ =	sdelay $0x3  }
0x97: {  	s11 =	sshra.s32 s16, $0x2;
	s16 =	smov.u32 s18  }
0x98: {  	[tilespmem:s11+$0x14128] =	vst v0  }
0x99: {  	v0 =	vld [tilespmem:s19+$0xF838];
	_ =	sdelay $0x4  }
0x9a: {  	[tilespmem:s11+$0x14138] =	vst v0  }
0x9b: {  	v0 =	vld [tilespmem:s19+$0xF848];
	_ =	sdelay $0x4  }
0x9c: {  	[tilespmem:s11+$0x14148] =	vst v0  }
0x9d: {  	v0 =	vld [tilespmem:s19+$0xF858];
	_ =	sdelay $0x4  }
0x9e: {  	[tilespmem:s11+$0x14158] =	vst v0  }
0x9f: {  	v0 =	vld [tilespmem:s19+$0xF868];
	_ =	sdelay $0x4  }
0xa0: {  	[tilespmem:s11+$0x14168] =	vst v0  }
0xa1: {  	v0 =	vld [tilespmem:s19+$0xF878];
	_ =	sdelay $0x4  }
0xa2: {  	[tilespmem:s11+$0x14178] =	vst v0  }
0xa3: {  	v0 =	vld [tilespmem:s19+$0xF888];
	_ =	sdelay $0x4  }
0xa4: {  	[tilespmem:s11+$0x14188] =	vst v0  }
.Ltmp1:
0xa5: {  	v0 =	vld [tilespmem:s19+$0xF898];
	(pc) =	sbr.rel @p1 .LBB2_4-.Ltmp1, $3  }
0xa6: {  	_ =	sdelay $0x1  }
0xa7: {  	s17 =	sadd.s32 $0x80, s17  }
0xa8: {  	s18 =	sadd.s32 $0x200, s18;
	s20 =	sand.u32 $0x380, s17;
	s19 =	sand.u32 $0x3000, s16  }
0xa9: {  	s17 =	sor.u32 s20, s19;
	[tilespmem:s11+$0x14198] =	vst v0  }
0xaa: {  	v0 =	vld [tilespmem:s17+$0xF828];
	_ =	sdelay $0x3  }
0xab: {  	s18 =	sshra.s32 s16, $0x2  }
0xac: {  	[tilespmem:s18+$0x14128] =	vst v0  }
0xad: {  	v0 =	vld [tilespmem:s17+$0xF838];
	_ =	sdelay $0x4  }
0xae: {  	[tilespmem:s18+$0x14138] =	vst v0  }
0xaf: {  	v0 =	vld [tilespmem:s17+$0xF848];
	_ =	sdelay $0x4  }
0xb0: {  	[tilespmem:s18+$0x14148] =	vst v0  }
0xb1: {  	v0 =	vld [tilespmem:s17+$0xF858];
	_ =	sdelay $0x4  }
0xb2: {  	[tilespmem:s18+$0x14158] =	vst v0  }
0xb3: {  	v0 =	vld [tilespmem:s17+$0xF868];
	_ =	sdelay $0x4  }
0xb4: {  	[tilespmem:s18+$0x14168] =	vst v0  }
0xb5: {  	v0 =	vld [tilespmem:s17+$0xF878];
	_ =	sdelay $0x4  }
0xb6: {  	[tilespmem:s18+$0x14178] =	vst v0  }
0xb7: {  	v0 =	vld [tilespmem:s17+$0xF888];
	_ =	sdelay $0x4  }
0xb8: {  	[tilespmem:s18+$0x14188] =	vst v0  }
0xb9: {  	v0 =	vld [tilespmem:s17+$0xF898];
	_ =	sdelay $0x4  }
0xba: {  	[tilespmem:s18+$0x14198] =	vst v0  }
0xbb: {  	s19 =	simm.s32 $0x0;
	_ =	swait.ge [sflag:s0], $0x1000  }
0xbc: {  	s20 =	sand.u32 $0x3000, s19;
	s11 =	sand.u32 $0x380, s19;
	[sflag:s0] =	ssyncset.done $0x0  }
0xbd: {  	s18 =	sor.u32 s11, s20;
	[sflag:s0] =	ssyncadd.s32 $0xFFFFF000  }
0xbe: {  	v0 =	vld [tilespmem:s18+$0xFC28];
	_ =	sdelay $0x3  }
0xbf: {  	s11 =	simm.s32 $0x0  }
0xc0: {  	[tilespmem:s11+$0x14E28] =	vst v0  }
0xc1: {  	v0 =	vld [tilespmem:s18+$0xFC38];
	_ =	sdelay $0x4  }
0xc2: {  	[tilespmem:s11+$0x14E38] =	vst v0  }
0xc3: {  	v0 =	vld [tilespmem:s18+$0xFC48];
	_ =	sdelay $0x4  }
0xc4: {  	[tilespmem:s11+$0x14E48] =	vst v0  }
0xc5: {  	v0 =	vld [tilespmem:s18+$0xFC58];
	_ =	sdelay $0x4  }
0xc6: {  	[tilespmem:s11+$0x14E58] =	vst v0  }
0xc7: {  	v0 =	vld [tilespmem:s18+$0xFC68];
	_ =	sdelay $0x4  }
0xc8: {  	[tilespmem:s11+$0x14E68] =	vst v0  }
0xc9: {  	v0 =	vld [tilespmem:s18+$0xFC78];
	_ =	sdelay $0x4  }
0xca: {  	[tilespmem:s11+$0x14E78] =	vst v0  }
0xcb: {  	v0 =	vld [tilespmem:s18+$0xFC88];
	_ =	sdelay $0x4  }
0xcc: {  	[tilespmem:s11+$0x14E88] =	vst v0  }
0xcd: {  	v0 =	vld [tilespmem:s18+$0xFC98];
	_ =	sdelay $0x2  }
0xce: {  	s16 =	simm.s32 $0x200;
	s17 =	simm.s32 $0x80  }
0xcf: {  	s19 =	sand.u32 $0x3000, s16;
	s20 =	sand.u32 $0x380, s17;
	s18 =	simm.s32 $0x400  }
.LBB2_6:
0xd0: {  	p1 =	sne.s32 s18, $0x3200;
	s19 =	sor.u32 s20, s19;
	[tilespmem:s11+$0x14E98] =	vst v0  }
0xd1: {  	v0 =	vld [tilespmem:s19+$0xFC28];
	_ =	sdelay $0x3  }
0xd2: {  	s11 =	sshra.s32 s16, $0x2;
	s16 =	smov.u32 s18  }
0xd3: {  	[tilespmem:s11+$0x14E28] =	vst v0  }
0xd4: {  	v0 =	vld [tilespmem:s19+$0xFC38];
	_ =	sdelay $0x4  }
0xd5: {  	[tilespmem:s11+$0x14E38] =	vst v0  }
0xd6: {  	v0 =	vld [tilespmem:s19+$0xFC48];
	_ =	sdelay $0x4  }
0xd7: {  	[tilespmem:s11+$0x14E48] =	vst v0  }
0xd8: {  	v0 =	vld [tilespmem:s19+$0xFC58];
	_ =	sdelay $0x4  }
0xd9: {  	[tilespmem:s11+$0x14E58] =	vst v0  }
0xda: {  	v0 =	vld [tilespmem:s19+$0xFC68];
	_ =	sdelay $0x4  }
0xdb: {  	[tilespmem:s11+$0x14E68] =	vst v0  }
0xdc: {  	v0 =	vld [tilespmem:s19+$0xFC78];
	_ =	sdelay $0x4  }
0xdd: {  	[tilespmem:s11+$0x14E78] =	vst v0  }
0xde: {  	v0 =	vld [tilespmem:s19+$0xFC88];
	_ =	sdelay $0x4  }
0xdf: {  	[tilespmem:s11+$0x14E88] =	vst v0  }
.Ltmp2:
0xe0: {  	v0 =	vld [tilespmem:s19+$0xFC98];
	(pc) =	sbr.rel @p1 .LBB2_6-.Ltmp2, $3  }
0xe1: {  	_ =	sdelay $0x1  }
0xe2: {  	s17 =	sadd.s32 $0x80, s17  }
0xe3: {  	s18 =	sadd.s32 $0x200, s18;
	s20 =	sand.u32 $0x380, s17;
	s19 =	sand.u32 $0x3000, s16  }
0xe4: {  	s17 =	sor.u32 s20, s19;
	[tilespmem:s11+$0x14E98] =	vst v0  }
0xe5: {  	v0 =	vld [tilespmem:s17+$0xFC28];
	_ =	sdelay $0x3  }
0xe6: {  	s18 =	sshra.s32 s16, $0x2  }
0xe7: {  	[tilespmem:s18+$0x14E28] =	vst v0  }
0xe8: {  	v0 =	vld [tilespmem:s17+$0xFC38];
	_ =	sdelay $0x4  }
0xe9: {  	[tilespmem:s18+$0x14E38] =	vst v0  }
0xea: {  	v0 =	vld [tilespmem:s17+$0xFC48];
	_ =	sdelay $0x4  }
0xeb: {  	[tilespmem:s18+$0x14E48] =	vst v0  }
0xec: {  	v0 =	vld [tilespmem:s17+$0xFC58];
	_ =	sdelay $0x4  }
0xed: {  	[tilespmem:s18+$0x14E58] =	vst v0  }
0xee: {  	v0 =	vld [tilespmem:s17+$0xFC68];
	_ =	sdelay $0x4  }
0xef: {  	[tilespmem:s18+$0x14E68] =	vst v0  }
0xf0: {  	v0 =	vld [tilespmem:s17+$0xFC78];
	_ =	sdelay $0x4  }
0xf1: {  	[tilespmem:s18+$0x14E78] =	vst v0  }
0xf2: {  	v0 =	vld [tilespmem:s17+$0xFC88];
	_ =	sdelay $0x4  }
0xf3: {  	[tilespmem:s18+$0x14E88] =	vst v0  }
0xf4: {  	v0 =	vld [tilespmem:s17+$0xFC98];
	_ =	sdelay $0x4  }
0xf5: {  	s19 =	simm.s32 $0x0;
	[tilespmem:s18+$0x14E98] =	vst v0  }
0xf6: {  	s20 =	sand.u32 $0x3000, s19;
	s11 =	sand.u32 $0x380, s19;
	_ =	swait.ge [sflag:s0], $0x1000  }
0xf7: {  	s11 =	sor.u32 s11, s20;
	[sflag:s0] =	ssyncset.done $0x0  }
0xf8: {  	s18 =	sadd.s32 $0xF428, s11;
	[sflag:s0] =	ssyncadd.s32 $0xFFFFF000  }
0xf9: {  	v0 =	vld [tilespmem:s18+$0xC00];
	_ =	sdelay $0x3  }
0xfa: {  	s11 =	simm.s32 $0x0  }
0xfb: {  	[tilespmem:s11+$0x15B28] =	vst v0  }
0xfc: {  	v0 =	vld [tilespmem:s18+$0xC10];
	_ =	sdelay $0x4  }
0xfd: {  	[tilespmem:s11+$0x15B38] =	vst v0  }
0xfe: {  	v0 =	vld [tilespmem:s18+$0xC20];
	_ =	sdelay $0x4  }
0xff: {  	[tilespmem:s11+$0x15B48] =	vst v0  }
0x100: {  	v0 =	vld [tilespmem:s18+$0xC30];
	_ =	sdelay $0x4  }
0x101: {  	[tilespmem:s11+$0x15B58] =	vst v0  }
0x102: {  	v0 =	vld [tilespmem:s18+$0xC40];
	_ =	sdelay $0x4  }
0x103: {  	[tilespmem:s11+$0x15B68] =	vst v0  }
0x104: {  	v0 =	vld [tilespmem:s18+$0xC50];
	_ =	sdelay $0x4  }
0x105: {  	[tilespmem:s11+$0x15B78] =	vst v0  }
0x106: {  	v0 =	vld [tilespmem:s18+$0xC60];
	_ =	sdelay $0x4  }
0x107: {  	[tilespmem:s11+$0x15B88] =	vst v0  }
0x108: {  	v0 =	vld [tilespmem:s18+$0xC70];
	_ =	sdelay $0x1  }
0x109: {  	s16 =	simm.s32 $0x200;
	s17 =	simm.s32 $0x80  }
0x10a: {  	s19 =	sand.u32 $0x3000, s16;
	s20 =	sand.u32 $0x380, s17;
	s18 =	simm.s32 $0x400  }
.LBB2_8:
0x10b: {  	p1 =	sne.s32 s18, $0x3200;
	s19 =	sor.u32 s20, s19  }
0x10c: {  	s19 =	sadd.s32 $0xF428, s19;
	[tilespmem:s11+$0x15B98] =	vst v0  }
0x10d: {  	v0 =	vld [tilespmem:s19+$0xC00];
	_ =	sdelay $0x3  }
0x10e: {  	s11 =	sshra.s32 s16, $0x2;
	s16 =	smov.u32 s18  }
0x10f: {  	[tilespmem:s11+$0x15B28] =	vst v0  }
0x110: {  	v0 =	vld [tilespmem:s19+$0xC10];
	_ =	sdelay $0x4  }
0x111: {  	[tilespmem:s11+$0x15B38] =	vst v0  }
0x112: {  	v0 =	vld [tilespmem:s19+$0xC20];
	_ =	sdelay $0x4  }
0x113: {  	[tilespmem:s11+$0x15B48] =	vst v0  }
0x114: {  	v0 =	vld [tilespmem:s19+$0xC30];
	_ =	sdelay $0x4  }
0x115: {  	[tilespmem:s11+$0x15B58] =	vst v0  }
0x116: {  	v0 =	vld [tilespmem:s19+$0xC40];
	_ =	sdelay $0x4  }
0x117: {  	[tilespmem:s11+$0x15B68] =	vst v0  }
0x118: {  	v0 =	vld [tilespmem:s19+$0xC50];
	_ =	sdelay $0x4  }
0x119: {  	[tilespmem:s11+$0x15B78] =	vst v0  }
0x11a: {  	v0 =	vld [tilespmem:s19+$0xC60];
	_ =	sdelay $0x4  }
.Ltmp3:
0x11b: {  	[tilespmem:s11+$0x15B88] =	vst v0;
	(pc) =	sbr.rel @p1 .LBB2_8-.Ltmp3, $3  }
0x11c: {  	v0 =	vld [tilespmem:s19+$0xC70];
	_ =	sdelay $0x1  }
0x11d: {  	s17 =	sadd.s32 $0x80, s17  }
0x11e: {  	s20 =	sand.u32 $0x380, s17;
	s18 =	sadd.s32 $0x200, s18;
	s19 =	sand.u32 $0x3000, s16  }
0x11f: {  	s17 =	sor.u32 s20, s19  }
0x120: {  	s17 =	sadd.s32 $0xF428, s17;
	[tilespmem:s11+$0x15B98] =	vst v0  }
0x121: {  	v0 =	vld [tilespmem:s17+$0xC00];
	_ =	sdelay $0x3  }
0x122: {  	s18 =	sshra.s32 s16, $0x2  }
0x123: {  	[tilespmem:s18+$0x15B28] =	vst v0  }
0x124: {  	v0 =	vld [tilespmem:s17+$0xC10];
	_ =	sdelay $0x4  }
0x125: {  	[tilespmem:s18+$0x15B38] =	vst v0  }
0x126: {  	v0 =	vld [tilespmem:s17+$0xC20];
	_ =	sdelay $0x4  }
0x127: {  	[tilespmem:s18+$0x15B48] =	vst v0  }
0x128: {  	v0 =	vld [tilespmem:s17+$0xC30];
	_ =	sdelay $0x4  }
0x129: {  	[tilespmem:s18+$0x15B58] =	vst v0  }
0x12a: {  	v0 =	vld [tilespmem:s17+$0xC40];
	_ =	sdelay $0x4  }
0x12b: {  	[tilespmem:s18+$0x15B68] =	vst v0  }
0x12c: {  	v0 =	vld [tilespmem:s17+$0xC50];
	_ =	sdelay $0x4  }
0x12d: {  	[tilespmem:s18+$0x15B78] =	vst v0  }
0x12e: {  	v0 =	vld [tilespmem:s17+$0xC60];
	_ =	sdelay $0x4  }
0x12f: {  	[tilespmem:s18+$0x15B88] =	vst v0  }
0x130: {  	v0 =	vld [tilespmem:s17+$0xC70];
	_ =	sdelay $0x4  }
0x131: {  	s11 =	simm.s32 @p0 $0x4;
	[tilespmem:s18+$0x15B98] =	vst v0  }
0x132: {  	_ =	swait.ge @p0 [sflag:s11], $0x1DD0  }
0x133: {  	[sflag:s11] =	ssyncset.done @p0 $0x0  }
0x134: {  	[sflag:s11] =	ssyncadd.s32 @p0 $0xFFFFE230;
	s11 =	simm.s32 @!p0 $0x4  }
0x135: {  	_ =	swait.ge @!p0 [sflag:s11], $0x1E90  }
0x136: {  	[sflag:s11] =	ssyncset.done @!p0 $0x0  }
0x137: {  	[sflag:s11] =	ssyncadd.s32 @!p0 $0xFFFFE170  }
0x138: {  	s19 =	simm.s32 $0x13428;
	s20 =	simm.s32 $0x16828;
	[bflag:$0x0] =	sbarrier.arrive $0xFFFF  }
0x139: {  	[tilespmem:s20], [sflag:$0x2] =	stream.indirect.gather [spmem:s1], $0x1, s19, s2, $0xb8;
	[tilespmem:$0x1DCA8] =	vst v63  }
0x13a: {  	s17 =	simm.s32 $0x14128;
	s18 =	simm.s32 $0x17528  }
0x13b: {  	[tilespmem:s18], [sflag:$0x2] =	stream.indirect.gather [spmem:s1], $0x1, s17, s2, $0xb8;
	[tilespmem:$0x1DCA8] =	vst v63  }
0x13c: {  	s19 =	simm.s32 $0x14E28;
	s20 =	simm.s32 $0x18228  }
0x13d: {  	[tilespmem:s20], [sflag:$0x2] =	stream.indirect.gather [spmem:s1], $0x1, s19, s2, $0xb8;
	[tilespmem:$0x1DCA8] =	vst v63  }
0x13e: {  	s17 =	simm.s32 $0x15B28;
	s18 =	simm.s32 $0x18F28  }
0x13f: {  	[tilespmem:s18], [sflag:$0x2] =	stream.indirect.gather [spmem:s1], $0x1, s17, s2, $0xb8;
	[tilespmem:$0x1DCA8] =	vst v63  }
0x140: {  	_ =	swait.ge [sflag:s8], $0xD00  }
0x141: {  	[sflag:s8] =	ssyncset.done $0x0  }
0x142: {  	s16 =	simm.s32 $0x0;
	[sflag:s8] =	ssyncadd.s32 $0xFFFFF300  }
0x143: {  	v63 =	vld [tilespmem:s16+$0x16828];
	_ =	sdelay $0x1  }
0x144: {  	s11 =	simm.s32 $0x0  }
0x145: {  	s19 =	sand.u32 $0x3000, s11;
	s18 =	sand.u32 $0x380, s11  }
0x146: {  	s17 =	sor.u32 s18, s19  }
0x147: {  	[tilespmem:s17+$0x19C28] =	vst v63  }
0x148: {  	v0 =	vld [tilespmem:s16+$0x16838];
	_ =	sdelay $0x3  }
0x149: {  	s20 =	sadd.s32 $0x19C28, s17  }
0x14a: {  	[tilespmem:s20+$0x10] =	vst v0  }
0x14b: {  	v0 =	vld [tilespmem:s16+$0x16848];
	_ =	sdelay $0x4  }
0x14c: {  	[tilespmem:s20+$0x20] =	vst v0  }
0x14d: {  	v0 =	vld [tilespmem:s16+$0x16858];
	_ =	sdelay $0x4  }
0x14e: {  	[tilespmem:s20+$0x30] =	vst v0  }
0x14f: {  	v0 =	vld [tilespmem:s16+$0x16868];
	_ =	sdelay $0x4  }
0x150: {  	[tilespmem:s20+$0x40] =	vst v0  }
0x151: {  	v0 =	vld [tilespmem:s16+$0x16878];
	_ =	sdelay $0x4  }
0x152: {  	[tilespmem:s20+$0x50] =	vst v0  }
0x153: {  	v0 =	vld [tilespmem:s16+$0x16888];
	_ =	sdelay $0x4  }
0x154: {  	[tilespmem:s20+$0x60] =	vst v0  }
0x155: {  	v0 =	vld [tilespmem:s16+$0x16898];
	_ =	sdelay $0x4  }
0x156: {  	s18 =	simm.s32 $0x400;
	s17 =	simm.s32 $0x200;
	s16 =	simm.s32 $0x80;
	[tilespmem:s20+$0x70] =	vst v0  }
.LBB2_10:
0x157: {  	p1 =	sne.s32 s18, $0x3200;
	v0 =	vld [tilespmem:s16+$0x16828];
	_ =	sdelay $0x1  }
0x158: {  	s11 =	sadd.s32 $0x80, s11  }
0x159: {  	s19 =	sand.u32 $0x3000, s17;
	s17 =	smov.u32 s18;
	s20 =	sand.u32 $0x380, s11  }
0x15a: {  	s19 =	sor.u32 s20, s19  }
0x15b: {  	[tilespmem:s19+$0x19C28] =	vst v0  }
0x15c: {  	v0 =	vld [tilespmem:s16+$0x16838];
	_ =	sdelay $0x3  }
0x15d: {  	s19 =	sadd.s32 $0x19C28, s19  }
0x15e: {  	[tilespmem:s19+$0x10] =	vst v0  }
0x15f: {  	v0 =	vld [tilespmem:s16+$0x16848];
	_ =	sdelay $0x4  }
0x160: {  	[tilespmem:s19+$0x20] =	vst v0  }
0x161: {  	v0 =	vld [tilespmem:s16+$0x16858];
	_ =	sdelay $0x4  }
0x162: {  	[tilespmem:s19+$0x30] =	vst v0  }
0x163: {  	v0 =	vld [tilespmem:s16+$0x16868];
	_ =	sdelay $0x4  }
0x164: {  	[tilespmem:s19+$0x40] =	vst v0  }
0x165: {  	v0 =	vld [tilespmem:s16+$0x16878];
	_ =	sdelay $0x4  }
0x166: {  	[tilespmem:s19+$0x50] =	vst v0  }
0x167: {  	v0 =	vld [tilespmem:s16+$0x16888];
	_ =	sdelay $0x4  }
0x168: {  	[tilespmem:s19+$0x60] =	vst v0  }
0x169: {  	v0 =	vld [tilespmem:s16+$0x16898]  }
.Ltmp4:
0x16a: {  	(pc) =	sbr.rel @p1 .LBB2_10-.Ltmp4, $2  }
0x16b: {  	_ =	sdelay $0x2  }
0x16c: {  	s18 =	sadd.s32 $0x200, s18;
	s16 =	sshra.s32 s17, $0x2;
	[tilespmem:s19+$0x70] =	vst v0  }
0x16d: {  	v0 =	vld [tilespmem:s16+$0x16828];
	_ =	sdelay $0x1  }
0x16e: {  	s11 =	sadd.s32 $0x80, s11  }
0x16f: {  	s17 =	sand.u32 $0x3000, s17;
	s11 =	sand.u32 $0x380, s11  }
0x170: {  	s11 =	sor.u32 s11, s17  }
0x171: {  	[tilespmem:s11+$0x19C28] =	vst v0  }
0x172: {  	v0 =	vld [tilespmem:s16+$0x16838];
	_ =	sdelay $0x3  }
0x173: {  	s11 =	sadd.s32 $0x19C28, s11  }
0x174: {  	[tilespmem:s11+$0x10] =	vst v0  }
0x175: {  	v0 =	vld [tilespmem:s16+$0x16848];
	_ =	sdelay $0x4  }
0x176: {  	[tilespmem:s11+$0x20] =	vst v0  }
0x177: {  	v0 =	vld [tilespmem:s16+$0x16858];
	_ =	sdelay $0x4  }
0x178: {  	[tilespmem:s11+$0x30] =	vst v0  }
0x179: {  	v0 =	vld [tilespmem:s16+$0x16868];
	_ =	sdelay $0x4  }
0x17a: {  	[tilespmem:s11+$0x40] =	vst v0  }
0x17b: {  	v0 =	vld [tilespmem:s16+$0x16878];
	_ =	sdelay $0x4  }
0x17c: {  	[tilespmem:s11+$0x50] =	vst v0  }
0x17d: {  	v0 =	vld [tilespmem:s16+$0x16888];
	_ =	sdelay $0x4  }
0x17e: {  	[tilespmem:s11+$0x60] =	vst v0  }
0x17f: {  	v0 =	vld [tilespmem:s16+$0x16898];
	_ =	sdelay $0x4  }
0x180: {  	s20 =	simm.s32 $0x19C28;
	[tilespmem:s11+$0x70] =	vst v0;
	s11 =	simm.s32 $0x0  }
0x181: {  	[hbm4b:s12+s11] =	stream.linear.scatter [tilespmem:s20], [sflag:$0x3], $0x400, $0x38;
	[tilespmem:$0x1DCA8] =	vst v63  }
0x182: {  	s18 =	simm.s32 $0x1AC28;
	s17 =	sadd.s32 $0x4000, s12  }
0x183: {  	[hbm4b:s17+s11] =	stream.linear.scatter [tilespmem:s18], [sflag:$0x3], $0x400, $0x38;
	[tilespmem:$0x1DCA8] =	vst v63  }
0x184: {  	s19 =	sadd.s32 $0x8000, s12;
	s20 =	simm.s32 $0x1BC28  }
0x185: {  	[hbm4b:s19+s11] =	stream.linear.scatter [tilespmem:s20], [sflag:$0x3], $0x400, $0x38;
	[tilespmem:$0x1DCA8] =	vst v63  }
0x186: {  	s18 =	sadd.s32 $0xC000, s12;
	s19 =	simm.s32 $0x1CC28  }
0x187: {  	[hbm4b:s18+s11] =	stream.linear.scatter [tilespmem:s19], [sflag:$0x3], $0x400, $0x38;
	[tilespmem:$0x1DCA8] =	vst v63  }
0x188: {  	_ =	swait.ge [sflag:s8], $0xD00  }
0x189: {  	[sflag:s8] =	ssyncset.done $0x0  }
0x18a: {  	s16 =	simm.s32 $0x0;
	[sflag:s8] =	ssyncadd.s32 $0xFFFFF300  }
0x18b: {  	v63 =	vld [tilespmem:s16+$0x17528];
	_ =	sdelay $0x1  }
0x18c: {  	s20 =	sand.u32 $0x3000, s11;
	s18 =	sand.u32 $0x380, s11  }
0x18d: {  	s17 =	sor.u32 s18, s20  }
0x18e: {  	s19 =	sadd.s32 $0x19C28, s17  }
0x18f: {  	[tilespmem:s19+$0x400] =	vst v63  }
0x190: {  	v0 =	vld [tilespmem:s16+$0x17538];
	_ =	sdelay $0x4  }
0x191: {  	[tilespmem:s19+$0x410] =	vst v0  }
0x192: {  	v0 =	vld [tilespmem:s16+$0x17548];
	_ =	sdelay $0x4  }
0x193: {  	[tilespmem:s19+$0x420] =	vst v0  }
0x194: {  	v0 =	vld [tilespmem:s16+$0x17558];
	_ =	sdelay $0x4  }
0x195: {  	[tilespmem:s19+$0x430] =	vst v0  }
0x196: {  	v0 =	vld [tilespmem:s16+$0x17568];
	_ =	sdelay $0x4  }
0x197: {  	[tilespmem:s19+$0x440] =	vst v0  }
0x198: {  	v0 =	vld [tilespmem:s16+$0x17578];
	_ =	sdelay $0x4  }
0x199: {  	[tilespmem:s19+$0x450] =	vst v0  }
0x19a: {  	v0 =	vld [tilespmem:s16+$0x17588];
	_ =	sdelay $0x4  }
0x19b: {  	[tilespmem:s19+$0x460] =	vst v0  }
0x19c: {  	v0 =	vld [tilespmem:s16+$0x17598];
	_ =	sdelay $0x4  }
0x19d: {  	s18 =	simm.s32 $0x400;
	s17 =	simm.s32 $0x200;
	s16 =	simm.s32 $0x80;
	[tilespmem:s19+$0x470] =	vst v0  }
.LBB2_12:
0x19e: {  	p1 =	sne.s32 s18, $0x3200;
	v0 =	vld [tilespmem:s16+$0x17528]  }
0x19f: {  	s11 =	sadd.s32 $0x80, s11  }
0x1a0: {  	s19 =	sand.u32 $0x3000, s17;
	s17 =	smov.u32 s18;
	s20 =	sand.u32 $0x380, s11  }
0x1a1: {  	s19 =	sor.u32 s20, s19  }
0x1a2: {  	s19 =	sadd.s32 $0x19C28, s19  }
0x1a3: {  	[tilespmem:s19+$0x400] =	vst v0  }
0x1a4: {  	v0 =	vld [tilespmem:s16+$0x17538];
	_ =	sdelay $0x4  }
0x1a5: {  	[tilespmem:s19+$0x410] =	vst v0  }
0x1a6: {  	v0 =	vld [tilespmem:s16+$0x17548];
	_ =	sdelay $0x4  }
0x1a7: {  	[tilespmem:s19+$0x420] =	vst v0  }
0x1a8: {  	v0 =	vld [tilespmem:s16+$0x17558];
	_ =	sdelay $0x4  }
0x1a9: {  	[tilespmem:s19+$0x430] =	vst v0  }
0x1aa: {  	v0 =	vld [tilespmem:s16+$0x17568];
	_ =	sdelay $0x4  }
0x1ab: {  	[tilespmem:s19+$0x440] =	vst v0  }
0x1ac: {  	v0 =	vld [tilespmem:s16+$0x17578];
	_ =	sdelay $0x4  }
0x1ad: {  	[tilespmem:s19+$0x450] =	vst v0  }
0x1ae: {  	v0 =	vld [tilespmem:s16+$0x17588];
	_ =	sdelay $0x4  }
0x1af: {  	[tilespmem:s19+$0x460] =	vst v0  }
0x1b0: {  	v0 =	vld [tilespmem:s16+$0x17598]  }
.Ltmp5:
0x1b1: {  	(pc) =	sbr.rel @p1 .LBB2_12-.Ltmp5, $2  }
0x1b2: {  	_ =	sdelay $0x2  }
0x1b3: {  	s18 =	sadd.s32 $0x200, s18;
	s16 =	sshra.s32 s17, $0x2;
	[tilespmem:s19+$0x470] =	vst v0  }
0x1b4: {  	v0 =	vld [tilespmem:s16+$0x17528]  }
0x1b5: {  	s11 =	sadd.s32 $0x80, s11  }
0x1b6: {  	s17 =	sand.u32 $0x3000, s17;
	s11 =	sand.u32 $0x380, s11  }
0x1b7: {  	s11 =	sor.u32 s11, s17  }
0x1b8: {  	s11 =	sadd.s32 $0x19C28, s11  }
0x1b9: {  	[tilespmem:s11+$0x400] =	vst v0  }
0x1ba: {  	v0 =	vld [tilespmem:s16+$0x17538];
	_ =	sdelay $0x4  }
0x1bb: {  	[tilespmem:s11+$0x410] =	vst v0  }
0x1bc: {  	v0 =	vld [tilespmem:s16+$0x17548];
	_ =	sdelay $0x4  }
0x1bd: {  	[tilespmem:s11+$0x420] =	vst v0  }
0x1be: {  	v0 =	vld [tilespmem:s16+$0x17558];
	_ =	sdelay $0x4  }
0x1bf: {  	[tilespmem:s11+$0x430] =	vst v0  }
0x1c0: {  	v0 =	vld [tilespmem:s16+$0x17568];
	_ =	sdelay $0x4  }
0x1c1: {  	[tilespmem:s11+$0x440] =	vst v0  }
0x1c2: {  	v0 =	vld [tilespmem:s16+$0x17578];
	_ =	sdelay $0x4  }
0x1c3: {  	[tilespmem:s11+$0x450] =	vst v0  }
0x1c4: {  	v0 =	vld [tilespmem:s16+$0x17588];
	_ =	sdelay $0x4  }
0x1c5: {  	[tilespmem:s11+$0x460] =	vst v0  }
0x1c6: {  	v0 =	vld [tilespmem:s16+$0x17598];
	_ =	sdelay $0x4  }
0x1c7: {  	s20 =	simm.s32 $0x1A028;
	[tilespmem:s11+$0x470] =	vst v0;
	s11 =	simm.s32 $0x0  }
0x1c8: {  	[hbm4b:s13+s11] =	stream.linear.scatter [tilespmem:s20], [sflag:$0x3], $0x400, $0x38;
	[tilespmem:$0x1DCA8] =	vst v63  }
0x1c9: {  	s18 =	simm.s32 $0x1B028;
	s17 =	sadd.s32 $0x4000, s13  }
0x1ca: {  	[hbm4b:s17+s11] =	stream.linear.scatter [tilespmem:s18], [sflag:$0x3], $0x400, $0x38;
	[tilespmem:$0x1DCA8] =	vst v63  }
0x1cb: {  	s19 =	sadd.s32 $0x8000, s13;
	s20 =	simm.s32 $0x1C028  }
0x1cc: {  	[hbm4b:s19+s11] =	stream.linear.scatter [tilespmem:s20], [sflag:$0x3], $0x400, $0x38;
	[tilespmem:$0x1DCA8] =	vst v63  }
0x1cd: {  	s18 =	sadd.s32 $0xC000, s13;
	s19 =	simm.s32 $0x1D028  }
0x1ce: {  	[hbm4b:s18+s11] =	stream.linear.scatter [tilespmem:s19], [sflag:$0x3], $0x400, $0x38;
	[tilespmem:$0x1DCA8] =	vst v63  }
0x1cf: {  	_ =	swait.ge [sflag:s8], $0xD00  }
0x1d0: {  	[sflag:s8] =	ssyncset.done $0x0  }
0x1d1: {  	s16 =	simm.s32 $0x0;
	[sflag:s8] =	ssyncadd.s32 $0xFFFFF300  }
0x1d2: {  	v63 =	vld [tilespmem:s16+$0x18228];
	_ =	sdelay $0x1  }
0x1d3: {  	s20 =	sand.u32 $0x3000, s11;
	s18 =	sand.u32 $0x380, s11  }
0x1d4: {  	s17 =	sor.u32 s18, s20  }
0x1d5: {  	s19 =	sadd.s32 $0x19C28, s17  }
0x1d6: {  	[tilespmem:s19+$0x800] =	vst v63  }
0x1d7: {  	v0 =	vld [tilespmem:s16+$0x18238];
	_ =	sdelay $0x4  }
0x1d8: {  	[tilespmem:s19+$0x810] =	vst v0  }
0x1d9: {  	v0 =	vld [tilespmem:s16+$0x18248];
	_ =	sdelay $0x4  }
0x1da: {  	[tilespmem:s19+$0x820] =	vst v0  }
0x1db: {  	v0 =	vld [tilespmem:s16+$0x18258];
	_ =	sdelay $0x4  }
0x1dc: {  	[tilespmem:s19+$0x830] =	vst v0  }
0x1dd: {  	v0 =	vld [tilespmem:s16+$0x18268];
	_ =	sdelay $0x4  }
0x1de: {  	[tilespmem:s19+$0x840] =	vst v0  }
0x1df: {  	v0 =	vld [tilespmem:s16+$0x18278];
	_ =	sdelay $0x4  }
0x1e0: {  	[tilespmem:s19+$0x850] =	vst v0  }
0x1e1: {  	v0 =	vld [tilespmem:s16+$0x18288];
	_ =	sdelay $0x4  }
0x1e2: {  	[tilespmem:s19+$0x860] =	vst v0  }
0x1e3: {  	v0 =	vld [tilespmem:s16+$0x18298];
	_ =	sdelay $0x4  }
0x1e4: {  	s18 =	simm.s32 $0x400;
	s17 =	simm.s32 $0x200;
	s16 =	simm.s32 $0x80;
	[tilespmem:s19+$0x870] =	vst v0  }
.LBB2_14:
0x1e5: {  	p1 =	sne.s32 s18, $0x3200;
	v0 =	vld [tilespmem:s16+$0x18228]  }
0x1e6: {  	s11 =	sadd.s32 $0x80, s11  }
0x1e7: {  	s19 =	sand.u32 $0x3000, s17;
	s17 =	smov.u32 s18;
	s20 =	sand.u32 $0x380, s11  }
0x1e8: {  	s19 =	sor.u32 s20, s19  }
0x1e9: {  	s19 =	sadd.s32 $0x19C28, s19  }
0x1ea: {  	[tilespmem:s19+$0x800] =	vst v0  }
0x1eb: {  	v0 =	vld [tilespmem:s16+$0x18238];
	_ =	sdelay $0x4  }
0x1ec: {  	[tilespmem:s19+$0x810] =	vst v0  }
0x1ed: {  	v0 =	vld [tilespmem:s16+$0x18248];
	_ =	sdelay $0x4  }
0x1ee: {  	[tilespmem:s19+$0x820] =	vst v0  }
0x1ef: {  	v0 =	vld [tilespmem:s16+$0x18258];
	_ =	sdelay $0x4  }
0x1f0: {  	[tilespmem:s19+$0x830] =	vst v0  }
0x1f1: {  	v0 =	vld [tilespmem:s16+$0x18268];
	_ =	sdelay $0x4  }
0x1f2: {  	[tilespmem:s19+$0x840] =	vst v0  }
0x1f3: {  	v0 =	vld [tilespmem:s16+$0x18278];
	_ =	sdelay $0x4  }
0x1f4: {  	[tilespmem:s19+$0x850] =	vst v0  }
0x1f5: {  	v0 =	vld [tilespmem:s16+$0x18288];
	_ =	sdelay $0x4  }
0x1f6: {  	[tilespmem:s19+$0x860] =	vst v0  }
0x1f7: {  	v0 =	vld [tilespmem:s16+$0x18298]  }
.Ltmp6:
0x1f8: {  	(pc) =	sbr.rel @p1 .LBB2_14-.Ltmp6, $2  }
0x1f9: {  	_ =	sdelay $0x2  }
0x1fa: {  	s18 =	sadd.s32 $0x200, s18;
	s16 =	sshra.s32 s17, $0x2;
	[tilespmem:s19+$0x870] =	vst v0  }
0x1fb: {  	v0 =	vld [tilespmem:s16+$0x18228]  }
0x1fc: {  	s11 =	sadd.s32 $0x80, s11  }
0x1fd: {  	s17 =	sand.u32 $0x3000, s17;
	s11 =	sand.u32 $0x380, s11  }
0x1fe: {  	s11 =	sor.u32 s11, s17  }
0x1ff: {  	s11 =	sadd.s32 $0x19C28, s11  }
0x200: {  	[tilespmem:s11+$0x800] =	vst v0  }
0x201: {  	v0 =	vld [tilespmem:s16+$0x18238];
	_ =	sdelay $0x4  }
0x202: {  	[tilespmem:s11+$0x810] =	vst v0  }
0x203: {  	v0 =	vld [tilespmem:s16+$0x18248];
	_ =	sdelay $0x4  }
0x204: {  	[tilespmem:s11+$0x820] =	vst v0  }
0x205: {  	v0 =	vld [tilespmem:s16+$0x18258];
	_ =	sdelay $0x4  }
0x206: {  	[tilespmem:s11+$0x830] =	vst v0  }
0x207: {  	v0 =	vld [tilespmem:s16+$0x18268];
	_ =	sdelay $0x4  }
0x208: {  	[tilespmem:s11+$0x840] =	vst v0  }
0x209: {  	v0 =	vld [tilespmem:s16+$0x18278];
	_ =	sdelay $0x4  }
0x20a: {  	[tilespmem:s11+$0x850] =	vst v0  }
0x20b: {  	v0 =	vld [tilespmem:s16+$0x18288];
	_ =	sdelay $0x4  }
0x20c: {  	[tilespmem:s11+$0x860] =	vst v0  }
0x20d: {  	v0 =	vld [tilespmem:s16+$0x18298];
	_ =	sdelay $0x4  }
0x20e: {  	s20 =	simm.s32 $0x1A428;
	[tilespmem:s11+$0x870] =	vst v0;
	s11 =	simm.s32 $0x0  }
0x20f: {  	[hbm4b:s14+s11] =	stream.linear.scatter [tilespmem:s20], [sflag:$0x3], $0x400, $0x38;
	[tilespmem:$0x1DCA8] =	vst v63  }
0x210: {  	s18 =	simm.s32 $0x1B428;
	s17 =	sadd.s32 $0x4000, s14  }
0x211: {  	[hbm4b:s17+s11] =	stream.linear.scatter [tilespmem:s18], [sflag:$0x3], $0x400, $0x38;
	[tilespmem:$0x1DCA8] =	vst v63  }
0x212: {  	s19 =	sadd.s32 $0x8000, s14;
	s20 =	simm.s32 $0x1C428  }
0x213: {  	[hbm4b:s19+s11] =	stream.linear.scatter [tilespmem:s20], [sflag:$0x3], $0x400, $0x38;
	[tilespmem:$0x1DCA8] =	vst v63  }
0x214: {  	s18 =	sadd.s32 $0xC000, s14;
	s19 =	simm.s32 $0x1D428  }
0x215: {  	[hbm4b:s18+s11] =	stream.linear.scatter [tilespmem:s19], [sflag:$0x3], $0x400, $0x38;
	[tilespmem:$0x1DCA8] =	vst v63  }
0x216: {  	_ =	swait.ge [sflag:s8], $0xD00  }
0x217: {  	[sflag:s8] =	ssyncset.done $0x0  }
0x218: {  	s16 =	simm.s32 $0x0;
	[sflag:s8] =	ssyncadd.s32 $0xFFFFF300  }
0x219: {  	v63 =	vld [tilespmem:s16+$0x18F28];
	_ =	sdelay $0x1  }
0x21a: {  	s20 =	sand.u32 $0x3000, s11;
	s18 =	sand.u32 $0x380, s11  }
0x21b: {  	s17 =	sor.u32 s18, s20  }
0x21c: {  	s19 =	sadd.s32 $0x19C28, s17  }
0x21d: {  	[tilespmem:s19+$0xC00] =	vst v63  }
0x21e: {  	v0 =	vld [tilespmem:s16+$0x18F38];
	_ =	sdelay $0x4  }
0x21f: {  	[tilespmem:s19+$0xC10] =	vst v0  }
0x220: {  	v0 =	vld [tilespmem:s16+$0x18F48];
	_ =	sdelay $0x4  }
0x221: {  	[tilespmem:s19+$0xC20] =	vst v0  }
0x222: {  	v0 =	vld [tilespmem:s16+$0x18F58];
	_ =	sdelay $0x4  }
0x223: {  	[tilespmem:s19+$0xC30] =	vst v0  }
0x224: {  	v0 =	vld [tilespmem:s16+$0x18F68];
	_ =	sdelay $0x4  }
0x225: {  	[tilespmem:s19+$0xC40] =	vst v0  }
0x226: {  	v0 =	vld [tilespmem:s16+$0x18F78];
	_ =	sdelay $0x4  }
0x227: {  	[tilespmem:s19+$0xC50] =	vst v0  }
0x228: {  	v0 =	vld [tilespmem:s16+$0x18F88];
	_ =	sdelay $0x4  }
0x229: {  	[tilespmem:s19+$0xC60] =	vst v0  }
0x22a: {  	v0 =	vld [tilespmem:s16+$0x18F98];
	_ =	sdelay $0x4  }
0x22b: {  	s18 =	simm.s32 $0x400;
	s17 =	simm.s32 $0x200;
	s16 =	simm.s32 $0x80;
	[tilespmem:s19+$0xC70] =	vst v0  }
.LBB2_16:
0x22c: {  	p1 =	sne.s32 s18, $0x3200;
	v0 =	vld [tilespmem:s16+$0x18F28]  }
0x22d: {  	s11 =	sadd.s32 $0x80, s11  }
0x22e: {  	s19 =	sand.u32 $0x3000, s17;
	s17 =	smov.u32 s18;
	s20 =	sand.u32 $0x380, s11  }
0x22f: {  	s19 =	sor.u32 s20, s19  }
0x230: {  	s19 =	sadd.s32 $0x19C28, s19  }
0x231: {  	[tilespmem:s19+$0xC00] =	vst v0  }
0x232: {  	v0 =	vld [tilespmem:s16+$0x18F38];
	_ =	sdelay $0x4  }
0x233: {  	[tilespmem:s19+$0xC10] =	vst v0  }
0x234: {  	v0 =	vld [tilespmem:s16+$0x18F48];
	_ =	sdelay $0x4  }
0x235: {  	[tilespmem:s19+$0xC20] =	vst v0  }
0x236: {  	v0 =	vld [tilespmem:s16+$0x18F58];
	_ =	sdelay $0x4  }
0x237: {  	[tilespmem:s19+$0xC30] =	vst v0  }
0x238: {  	v0 =	vld [tilespmem:s16+$0x18F68];
	_ =	sdelay $0x4  }
0x239: {  	[tilespmem:s19+$0xC40] =	vst v0  }
0x23a: {  	v0 =	vld [tilespmem:s16+$0x18F78];
	_ =	sdelay $0x4  }
0x23b: {  	[tilespmem:s19+$0xC50] =	vst v0  }
0x23c: {  	v0 =	vld [tilespmem:s16+$0x18F88];
	_ =	sdelay $0x4  }
0x23d: {  	[tilespmem:s19+$0xC60] =	vst v0  }
0x23e: {  	v0 =	vld [tilespmem:s16+$0x18F98]  }
.Ltmp7:
0x23f: {  	(pc) =	sbr.rel @p1 .LBB2_16-.Ltmp7, $2  }
0x240: {  	_ =	sdelay $0x2  }
0x241: {  	s18 =	sadd.s32 $0x200, s18;
	s16 =	sshra.s32 s17, $0x2;
	[tilespmem:s19+$0xC70] =	vst v0  }
0x242: {  	v0 =	vld [tilespmem:s16+$0x18F28]  }
0x243: {  	s11 =	sadd.s32 $0x80, s11  }
0x244: {  	s17 =	sand.u32 $0x3000, s17;
	s11 =	sand.u32 $0x380, s11  }
0x245: {  	s11 =	sor.u32 s11, s17  }
0x246: {  	s11 =	sadd.s32 $0x19C28, s11  }
0x247: {  	[tilespmem:s11+$0xC00] =	vst v0  }
0x248: {  	v0 =	vld [tilespmem:s16+$0x18F38];
	_ =	sdelay $0x4  }
0x249: {  	[tilespmem:s11+$0xC10] =	vst v0  }
0x24a: {  	v0 =	vld [tilespmem:s16+$0x18F48];
	_ =	sdelay $0x4  }
0x24b: {  	[tilespmem:s11+$0xC20] =	vst v0  }
0x24c: {  	v0 =	vld [tilespmem:s16+$0x18F58];
	_ =	sdelay $0x4  }
0x24d: {  	[tilespmem:s11+$0xC30] =	vst v0  }
0x24e: {  	v0 =	vld [tilespmem:s16+$0x18F68];
	_ =	sdelay $0x4  }
0x24f: {  	[tilespmem:s11+$0xC40] =	vst v0  }
0x250: {  	v0 =	vld [tilespmem:s16+$0x18F78];
	_ =	sdelay $0x4  }
0x251: {  	[tilespmem:s11+$0xC50] =	vst v0  }
0x252: {  	v0 =	vld [tilespmem:s16+$0x18F88];
	_ =	sdelay $0x4  }
0x253: {  	[tilespmem:s11+$0xC60] =	vst v0  }
0x254: {  	v0 =	vld [tilespmem:s16+$0x18F98];
	_ =	sdelay $0x4  }
0x255: {  	s18 =	simm.s32 $0x1A828;
	[tilespmem:s11+$0xC70] =	vst v0  }
0x256: {  	[hbm4b:s15+s3] =	stream.linear.scatter [tilespmem:s18], [sflag:$0x3], $0x400, $0x38;
	[tilespmem:$0x1DCA8] =	vst v63  }
0x257: {  	s19 =	sadd.s32 $0x4000, s15;
	s20 =	simm.s32 $0x1B828  }
0x258: {  	[hbm4b:s19+s3] =	stream.linear.scatter [tilespmem:s20], [sflag:$0x3], $0x400, $0x38;
	[tilespmem:$0x1DCA8] =	vst v63  }
0x259: {  	s17 =	simm.s32 $0x1C828;
	s16 =	sadd.s32 $0x8000, s15  }
0x25a: {  	[hbm4b:s16+s3] =	stream.linear.scatter [tilespmem:s17], [sflag:$0x3], $0x400, $0x38;
	[tilespmem:$0x1DCA8] =	vst v63  }
0x25b: {  	s18 =	sadd.s32 $0xC000, s15;
	s19 =	simm.s32 $0x1D828  }
0x25c: {  	[hbm4b:s18+s3] =	stream.linear.scatter [tilespmem:s19], [sflag:$0x3], $0x400, $0x38;
	[tilespmem:$0x1DCA8] =	vst v63  }
0x25d: {  	_ =	swait.ge [sflag:s9], $0x1000  }
0x25e: {  	[sflag:s9] =	ssyncset.done $0x0  }
0x25f: {  	[sflag:s9] =	ssyncadd.s32 $0xFFFFF000  }
0x260: {  	_ =	swait.ge [sflag:s9], $0x1000  }
0x261: {  	[sflag:s9] =	ssyncset.done $0x0  }
0x262: {  	[sflag:s9] =	ssyncadd.s32 $0xFFFFF000  }
0x263: {  	_ =	swait.ge [sflag:s9], $0x1000  }
0x264: {  	[sflag:s9] =	ssyncset.done $0x0  }
0x265: {  	[sflag:s9] =	ssyncadd.s32 $0xFFFFF000  }
0x266: {  	_ =	swait.ge [sflag:s9], $0x1000  }
0x267: {  	s10 =	sadd.s32 $0x1, s10;
	s20 =	rddreg [dreg:$0x9]  }
0x268: {  	p1 =	sne.s32 s10, s20  }
.Ltmp8:
0x269: {  	_ = 	snop;
	(pc) =	sbr.rel @p1 .LBB2_1-.Ltmp8, $3  }
0x26a: {  	_ =	sdelay $0x1  }
0x26b: {  	[sflag:s9] =	ssyncset.done $0x0  }
0x26c: {  	[sflag:s9] =	ssyncadd.s32 $0xFFFFF000  }
0x26d: {  	_ =	sfence.sel $0x180000  }
0x26e: {  	[bflag:$0x0] =	sbarrier.arrive $0xFFFF  }
0x26f: {  	_ =	strace $0x90000047  }
0x270: {  	s0 =	stileid.u32;
	[bflag:$0x2] =	sbarrier.arrive $0xFFFF  }
0x271: {  	p0 =	sne.s32 s0, $0x0;
	s0 =	rddreg [dreg:$0x4]  }
0x272: {  	s0 =	sadd.s32 @!p0 $0x100000, s0  }
0x273: {  	[sflag:s0] =	ssyncadd.tile.s32 @!p0 $0x1;
	_ =	shalt  }
.Lfunc_end2:
_tile_overlayer_lowered:
.L_overlay_start_2:
0x274: {  	(tag) =	ssettag $0x2  }
0x275: {  	s0 =	rddreg [dreg:$0x0];
	s2 =	stileid.u32  }
0x276: {  	s1 =	rddreg [dreg:$0x1];
	p0 =	sne.s32 s2, $0x0  }
0x277: {  	s3 =	rddreg [dreg:$0x2];
	[bflag:$0x3] =	sbarrier.arrive $0xFFFF;
	s2 =	simm.s32 @!p0 $0x1C05  }
0x278: {  	[timem:s3], [sflag:s2] =	dma.local @!p0 [hbm:s0], s1  }
0x279: {  	s0 =	simm.s32 @!p0 $0x5  }
0x27a: {  	_ =	swait.ge @!p0 [sflag:s0], s1  }
0x27b: {  	s1 =	ssub.s32 @!p0 $0x0, s1;
	[sflag:s0] =	ssyncset.done @!p0 $0x0  }
0x27c: {  	[sflag:s0] =	ssyncadd.s32 @!p0 s1  }
0x27d: {  	[bflag:$0x3] =	sbarrier.arrive $0xFFFF  }
0x27e: {  	_ =	shalt  }

</sc_bundles>
